<compile_context>
chip_gen: v7x
topology: tpu7x:2x2x1
jax: 0.10.2.dev20260603
libtpu: 0.0.44.dev20260713+nightly
codegen_flags: <defaults>
</compile_context>

<pallas_src>
import jax
import jax.numpy as jnp
from jax.experimental import pallas as pl
from jax.experimental.pallas import tpu as pltpu

BATCH = 4096
N_NODES = 8
IN_F = 256
OUT_F = 256
BM = 256


def _gcn_tile(adj_ref, x_ref, w_ref, b_ref, o_ref, xbf_ref):
    for m in range(N_NODES):
        s = slice(m * IN_F, (m + 1) * IN_F)
        xbf_ref[:, s] = x_ref[:, s].astype(jnp.bfloat16)
    w = w_ref[...]
    b = b_ref[...]
    for n in range(N_NODES):
        acc = xbf_ref[:, 0:IN_F] * adj_ref[n, 0].astype(jnp.bfloat16)
        for m in range(1, N_NODES):
            s = slice(m * IN_F, (m + 1) * IN_F)
            acc = acc + xbf_ref[:, s] * adj_ref[n, m].astype(jnp.bfloat16)
        out = jnp.dot(acc, w, preferred_element_type=jnp.float32)
        o_ref[:, n * OUT_F:(n + 1) * OUT_F] = out + b


def kernel(input, adj, weight, bias):
    x2 = input.reshape(BATCH, N_NODES * IN_F)
    w_bf = weight.astype(jnp.bfloat16)
    bias2d = bias.reshape(1, OUT_F)
    grid = (BATCH // BM,)
    out2 = pl.pallas_call(
        _gcn_tile,
        grid=grid,
        in_specs=[
            pl.BlockSpec(memory_space=pltpu.SMEM),
            pl.BlockSpec((BM, N_NODES * IN_F), lambda i: (i, 0)),
            pl.BlockSpec((IN_F, OUT_F), lambda i: (0, 0)),
            pl.BlockSpec((1, OUT_F), lambda i: (0, 0)),
        ],
        out_specs=pl.BlockSpec((BM, N_NODES * OUT_F), lambda i: (i, 0)),
        out_shape=jax.ShapeDtypeStruct((BATCH, N_NODES * OUT_F), jnp.float32),
        scratch_shapes=[pltpu.VMEM((BM, N_NODES * IN_F), jnp.bfloat16)],
        compiler_params=pltpu.CompilerParams(
            dimension_semantics=("parallel",),
        ),
    )(adj, x2, w_bf, bias2d)
    return out2.reshape(BATCH, N_NODES, OUT_F)

# --- scband reference (transcript-rebuilt; emitter-appended) ---
"""Pipeline reference for scband-graph-convolution-75153337745892 (READ-ONLY COPY).

The authoritative reference and input builder live on the scoring server;
editing this copy changes nothing except your own understanding.
"""

import jax, jax.numpy as jnp
import numpy as np

IN_FEATURES = 256
OUT_FEATURES = 256
BATCH = 4096
N_NODES = 8

def setup_inputs(seed: int = 0) -> dict:
    key = jax.random.key(seed)
    k1, k2, k3, k4 = jax.random.split(key, 4)
    inp = jax.random.normal(k1, (BATCH, N_NODES, IN_FEATURES), dtype=jnp.float32)
    adj = jax.random.uniform(k2, (N_NODES, N_NODES), dtype=jnp.float32)
    stdv = 1.0 / np.sqrt(OUT_FEATURES)
    weight = jax.random.uniform(k3, (IN_FEATURES, OUT_FEATURES), minval=-stdv, maxval=stdv, dtype=jnp.float32)
    bias = jax.random.uniform(k4, (OUT_FEATURES,), minval=-stdv, maxval=stdv, dtype=jnp.float32)
    return {"input": inp, "adj": adj, "weight": weight, "bias": bias}

def reference(input, adj, weight, bias):
    # Original torch code loops over the batch dim:
    #   support = input[i] @ weight ; out[i] = adj @ support
    # which is exactly a batched pair of matmuls (adj shared across batch).
    support = jnp.einsum('bnf,fo->bno', input, weight)
    output = jnp.einsum('nm,bmo->bno', adj, support)
    return output + bias

if __name__ == "__main__":
    import jax
    _d = setup_inputs()
    print(jax.jit(kernel)(*tuple(_d.values())))

</pallas_src>

<mosaic_0001>
module attributes {stable_mosaic.version = 14 : i64} {
  func.func @_gcn_tile(%arg0: i32, %arg1: memref<8x8xf32, #tpu.memory_space<smem>>, %arg2: memref<256x2048xf32, #tpu.memory_space<vmem>>, %arg3: memref<256x256xbf16, #tpu.memory_space<vmem>>, %arg4: memref<1x256xf32, #tpu.memory_space<vmem>>, %arg5: memref<256x2048xf32, #tpu.memory_space<vmem>>, %arg6: memref<256x2048xbf16, #tpu.memory_space<vmem>>) attributes {dimension_semantics = [#tpu.dimension_semantics<parallel>], iteration_bounds = array<i64: 16>, scalar_prefetch = 0 : i64, scratch_operands = 1 : i64, tpu.core_type = #tpu.core_type<tc>, window_params = [{transform_indices = @transform_0, window_bounds = array<i64: 8, 8>}, {transform_indices = @transform_1, window_bounds = array<i64: 256, 2048>}, {pipeline_mode = #tpu.pipeline_mode<synchronous>, transform_indices = @transform_2, window_bounds = array<i64: 256, 256>}, {pipeline_mode = #tpu.pipeline_mode<synchronous>, transform_indices = @transform_3, window_bounds = array<i64: 1, 256>}, {transform_indices = @transform_4, window_bounds = array<i64: 256, 2048>}]} {
    %get3A = arith.constant 0 : index
    %get3A_0 = arith.constant 0 : index
    %get3A_1 = vector.load %arg2[%get3A, %get3A_0] : memref<256x2048xf32, #tpu.memory_space<vmem>>, vector<256x256xf32>
    %convert_element_type3A = arith.truncf %get3A_1 : vector<256x256xf32> to vector<256x256xbf16>
    %swap3A = arith.constant 0 : index
    %swap3A_2 = arith.constant 0 : index
    %swap3A_3 = vector.load %arg6[%swap3A, %swap3A_2] : memref<256x2048xbf16, #tpu.memory_space<vmem>>, vector<256x256xbf16>
    tpu.vector_store %arg6[%swap3A, %swap3A_2], %convert_element_type3A {strides = array<i32>} : memref<256x2048xbf16, #tpu.memory_space<vmem>>, vector<256x256xbf16>,
    %get3A_4 = arith.constant 0 : index
    %get3A_5 = arith.constant 256 : index
    %get3A_6 = vector.load %arg2[%get3A_4, %get3A_5] : memref<256x2048xf32, #tpu.memory_space<vmem>>, vector<256x256xf32>
    %convert_element_type3A_7 = arith.truncf %get3A_6 : vector<256x256xf32> to vector<256x256xbf16>
    %swap3A_8 = arith.constant 0 : index
    %swap3A_9 = arith.constant 256 : index
    %swap3A_10 = vector.load %arg6[%swap3A_8, %swap3A_9] : memref<256x2048xbf16, #tpu.memory_space<vmem>>, vector<256x256xbf16>
    tpu.vector_store %arg6[%swap3A_8, %swap3A_9], %convert_element_type3A_7 {strides = array<i32>} : memref<256x2048xbf16, #tpu.memory_space<vmem>>, vector<256x256xbf16>,
    %get3A_11 = arith.constant 0 : index
    %get3A_12 = arith.constant 512 : index
    %get3A_13 = vector.load %arg2[%get3A_11, %get3A_12] : memref<256x2048xf32, #tpu.memory_space<vmem>>, vector<256x256xf32>
    %convert_element_type3A_14 = arith.truncf %get3A_13 : vector<256x256xf32> to vector<256x256xbf16>
    %swap3A_15 = arith.constant 0 : index
    %swap3A_16 = arith.constant 512 : index
    %swap3A_17 = vector.load %arg6[%swap3A_15, %swap3A_16] : memref<256x2048xbf16, #tpu.memory_space<vmem>>, vector<256x256xbf16>
    tpu.vector_store %arg6[%swap3A_15, %swap3A_16], %convert_element_type3A_14 {strides = array<i32>} : memref<256x2048xbf16, #tpu.memory_space<vmem>>, vector<256x256xbf16>,
    %get3A_18 = arith.constant 0 : index
    %get3A_19 = arith.constant 768 : index
    %get3A_20 = vector.load %arg2[%get3A_18, %get3A_19] : memref<256x2048xf32, #tpu.memory_space<vmem>>, vector<256x256xf32>
    %convert_element_type3A_21 = arith.truncf %get3A_20 : vector<256x256xf32> to vector<256x256xbf16>
    %swap3A_22 = arith.constant 0 : index
    %swap3A_23 = arith.constant 768 : index
    %swap3A_24 = vector.load %arg6[%swap3A_22, %swap3A_23] : memref<256x2048xbf16, #tpu.memory_space<vmem>>, vector<256x256xbf16>
    tpu.vector_store %arg6[%swap3A_22, %swap3A_23], %convert_element_type3A_21 {strides = array<i32>} : memref<256x2048xbf16, #tpu.memory_space<vmem>>, vector<256x256xbf16>,
    %get3A_25 = arith.constant 0 : index
    %get3A_26 = arith.constant 1024 : index
    %get3A_27 = vector.load %arg2[%get3A_25, %get3A_26] : memref<256x2048xf32, #tpu.memory_space<vmem>>, vector<256x256xf32>
    %convert_element_type3A_28 = arith.truncf %get3A_27 : vector<256x256xf32> to vector<256x256xbf16>
    %swap3A_29 = arith.constant 0 : index
    %swap3A_30 = arith.constant 1024 : index
    %swap3A_31 = vector.load %arg6[%swap3A_29, %swap3A_30] : memref<256x2048xbf16, #tpu.memory_space<vmem>>, vector<256x256xbf16>
    tpu.vector_store %arg6[%swap3A_29, %swap3A_30], %convert_element_type3A_28 {strides = array<i32>} : memref<256x2048xbf16, #tpu.memory_space<vmem>>, vector<256x256xbf16>,
    %get3A_32 = arith.constant 0 : index
    %get3A_33 = arith.constant 1280 : index
    %get3A_34 = vector.load %arg2[%get3A_32, %get3A_33] : memref<256x2048xf32, #tpu.memory_space<vmem>>, vector<256x256xf32>
    %convert_element_type3A_35 = arith.truncf %get3A_34 : vector<256x256xf32> to vector<256x256xbf16>
    %swap3A_36 = arith.constant 0 : index
    %swap3A_37 = arith.constant 1280 : index
    %swap3A_38 = vector.load %arg6[%swap3A_36, %swap3A_37] : memref<256x2048xbf16, #tpu.memory_space<vmem>>, vector<256x256xbf16>
    tpu.vector_store %arg6[%swap3A_36, %swap3A_37], %convert_element_type3A_35 {strides = array<i32>} : memref<256x2048xbf16, #tpu.memory_space<vmem>>, vector<256x256xbf16>,
    %get3A_39 = arith.constant 0 : index
    %get3A_40 = arith.constant 1536 : index
    %get3A_41 = vector.load %arg2[%get3A_39, %get3A_40] : memref<256x2048xf32, #tpu.memory_space<vmem>>, vector<256x256xf32>
    %convert_element_type3A_42 = arith.truncf %get3A_41 : vector<256x256xf32> to vector<256x256xbf16>
    %swap3A_43 = arith.constant 0 : index
    %swap3A_44 = arith.constant 1536 : index
    %swap3A_45 = vector.load %arg6[%swap3A_43, %swap3A_44] : memref<256x2048xbf16, #tpu.memory_space<vmem>>, vector<256x256xbf16>
    tpu.vector_store %arg6[%swap3A_43, %swap3A_44], %convert_element_type3A_42 {strides = array<i32>} : memref<256x2048xbf16, #tpu.memory_space<vmem>>, vector<256x256xbf16>,
    %get3A_46 = arith.constant 0 : index
    %get3A_47 = arith.constant 1792 : index
    %get3A_48 = vector.load %arg2[%get3A_46, %get3A_47] : memref<256x2048xf32, #tpu.memory_space<vmem>>, vector<256x256xf32>
    %convert_element_type3A_49 = arith.truncf %get3A_48 : vector<256x256xf32> to vector<256x256xbf16>
    %swap3A_50 = arith.constant 0 : index
    %swap3A_51 = arith.constant 1792 : index
    %swap3A_52 = vector.load %arg6[%swap3A_50, %swap3A_51] : memref<256x2048xbf16, #tpu.memory_space<vmem>>, vector<256x256xbf16>
    tpu.vector_store %arg6[%swap3A_50, %swap3A_51], %convert_element_type3A_49 {strides = array<i32>} : memref<256x2048xbf16, #tpu.memory_space<vmem>>, vector<256x256xbf16>,
    %get3A_53 = arith.constant 0 : index
    %get3A_54 = arith.constant 0 : index
    %get3A_55 = vector.load %arg3[%get3A_53, %get3A_54] : memref<256x256xbf16, #tpu.memory_space<vmem>>, vector<256x256xbf16>
    %get3A_56 = arith.constant 0 : index
    %get3A_57 = arith.constant 0 : index
    %get3A_58 = vector.load %arg4[%get3A_56, %get3A_57] : memref<1x256xf32, #tpu.memory_space<vmem>>, vector<1x256xf32>
    %get3A_59 = arith.constant 0 : index
    %get3A_60 = arith.constant 0 : index
    %get3A_61 = vector.load %arg6[%get3A_59, %get3A_60] : memref<256x2048xbf16, #tpu.memory_space<vmem>>, vector<256x256xbf16>
    %get3A_62 = arith.constant 0 : index
    %get3A_63 = arith.constant 0 : index
    %get3A_64 = memref.load %arg1[%get3A_62, %get3A_63] : memref<8x8xf32, #tpu.memory_space<smem>>
    %convert_element_type3A_65 = arith.truncf %get3A_64 : f32 to bf16
    %mul3A = vector.broadcast %convert_element_type3A_65 : bf16 to vector<256x256xbf16>
    %mul3A_66 = arith.mulf %get3A_61, %mul3A : vector<256x256xbf16>
    %get3A_67 = arith.constant 0 : index
    %get3A_68 = arith.constant 256 : index
    %get3A_69 = vector.load %arg6[%get3A_67, %get3A_68] : memref<256x2048xbf16, #tpu.memory_space<vmem>>, vector<256x256xbf16>
    %get3A_70 = arith.constant 0 : index
    %get3A_71 = arith.constant 1 : index
    %get3A_72 = memref.load %arg1[%get3A_70, %get3A_71] : memref<8x8xf32, #tpu.memory_space<smem>>
    %convert_element_type3A_73 = arith.truncf %get3A_72 : f32 to bf16
    %mul3A_74 = vector.broadcast %convert_element_type3A_73 : bf16 to vector<256x256xbf16>
    %mul3A_75 = arith.mulf %get3A_69, %mul3A_74 : vector<256x256xbf16>
    %add3A = arith.addf %mul3A_66, %mul3A_75 : vector<256x256xbf16>
    %get3A_76 = arith.constant 0 : index
    %get3A_77 = arith.constant 512 : index
    %get3A_78 = vector.load %arg6[%get3A_76, %get3A_77] : memref<256x2048xbf16, #tpu.memory_space<vmem>>, vector<256x256xbf16>
    %get3A_79 = arith.constant 0 : index
    %get3A_80 = arith.constant 2 : index
    %get3A_81 = memref.load %arg1[%get3A_79, %get3A_80] : memref<8x8xf32, #tpu.memory_space<smem>>
    %convert_element_type3A_82 = arith.truncf %get3A_81 : f32 to bf16
    %mul3A_83 = vector.broadcast %convert_element_type3A_82 : bf16 to vector<256x256xbf16>
    %mul3A_84 = arith.mulf %get3A_78, %mul3A_83 : vector<256x256xbf16>
    %add3A_85 = arith.addf %add3A, %mul3A_84 : vector<256x256xbf16>
    %get3A_86 = arith.constant 0 : index
    %get3A_87 = arith.constant 768 : index
    %get3A_88 = vector.load %arg6[%get3A_86, %get3A_87] : memref<256x2048xbf16, #tpu.memory_space<vmem>>, vector<256x256xbf16>
    %get3A_89 = arith.constant 0 : index
    %get3A_90 = arith.constant 3 : index
    %get3A_91 = memref.load %arg1[%get3A_89, %get3A_90] : memref<8x8xf32, #tpu.memory_space<smem>>
    %convert_element_type3A_92 = arith.truncf %get3A_91 : f32 to bf16
    %mul3A_93 = vector.broadcast %convert_element_type3A_92 : bf16 to vector<256x256xbf16>
    %mul3A_94 = arith.mulf %get3A_88, %mul3A_93 : vector<256x256xbf16>
    %add3A_95 = arith.addf %add3A_85, %mul3A_94 : vector<256x256xbf16>
    %get3A_96 = arith.constant 0 : index
    %get3A_97 = arith.constant 1024 : index
    %get3A_98 = vector.load %arg6[%get3A_96, %get3A_97] : memref<256x2048xbf16, #tpu.memory_space<vmem>>, vector<256x256xbf16>
    %get3A_99 = arith.constant 0 : index
    %get3A_100 = arith.constant 4 : index
    %get3A_101 = memref.load %arg1[%get3A_99, %get3A_100] : memref<8x8xf32, #tpu.memory_space<smem>>
    %convert_element_type3A_102 = arith.truncf %get3A_101 : f32 to bf16
    %mul3A_103 = vector.broadcast %convert_element_type3A_102 : bf16 to vector<256x256xbf16>
    %mul3A_104 = arith.mulf %get3A_98, %mul3A_103 : vector<256x256xbf16>
    %add3A_105 = arith.addf %add3A_95, %mul3A_104 : vector<256x256xbf16>
    %get3A_106 = arith.constant 0 : index
    %get3A_107 = arith.constant 1280 : index
    %get3A_108 = vector.load %arg6[%get3A_106, %get3A_107] : memref<256x2048xbf16, #tpu.memory_space<vmem>>, vector<256x256xbf16>
    %get3A_109 = arith.constant 0 : index
    %get3A_110 = arith.constant 5 : index
    %get3A_111 = memref.load %arg1[%get3A_109, %get3A_110] : memref<8x8xf32, #tpu.memory_space<smem>>
    %convert_element_type3A_112 = arith.truncf %get3A_111 : f32 to bf16
    %mul3A_113 = vector.broadcast %convert_element_type3A_112 : bf16 to vector<256x256xbf16>
    %mul3A_114 = arith.mulf %get3A_108, %mul3A_113 : vector<256x256xbf16>
    %add3A_115 = arith.addf %add3A_105, %mul3A_114 : vector<256x256xbf16>
    %get3A_116 = arith.constant 0 : index
    %get3A_117 = arith.constant 1536 : index
    %get3A_118 = vector.load %arg6[%get3A_116, %get3A_117] : memref<256x2048xbf16, #tpu.memory_space<vmem>>, vector<256x256xbf16>
    %get3A_119 = arith.constant 0 : index
    %get3A_120 = arith.constant 6 : index
    %get3A_121 = memref.load %arg1[%get3A_119, %get3A_120] : memref<8x8xf32, #tpu.memory_space<smem>>
    %convert_element_type3A_122 = arith.truncf %get3A_121 : f32 to bf16
    %mul3A_123 = vector.broadcast %convert_element_type3A_122 : bf16 to vector<256x256xbf16>
    %mul3A_124 = arith.mulf %get3A_118, %mul3A_123 : vector<256x256xbf16>
    %add3A_125 = arith.addf %add3A_115, %mul3A_124 : vector<256x256xbf16>
    %get3A_126 = arith.constant 0 : index
    %get3A_127 = arith.constant 1792 : index
    %get3A_128 = vector.load %arg6[%get3A_126, %get3A_127] : memref<256x2048xbf16, #tpu.memory_space<vmem>>, vector<256x256xbf16>
    %get3A_129 = arith.constant 0 : index
    %get3A_130 = arith.constant 7 : index
    %get3A_131 = memref.load %arg1[%get3A_129, %get3A_130] : memref<8x8xf32, #tpu.memory_space<smem>>
    %convert_element_type3A_132 = arith.truncf %get3A_131 : f32 to bf16
    %mul3A_133 = vector.broadcast %convert_element_type3A_132 : bf16 to vector<256x256xbf16>
    %mul3A_134 = arith.mulf %get3A_128, %mul3A_133 : vector<256x256xbf16>
    %add3A_135 = arith.addf %add3A_125, %mul3A_134 : vector<256x256xbf16>
    %dot_general3A = arith.constant dense<0.000000e+00> : vector<256x256xf32>
    %dot_general3A_136 = tpu.matmul %add3A_135, %get3A_55, %dot_general3A {dimension_numbers = #tpu.dot_dimension_numbers<[1], [0], [0], [1], [0, 0, 1, 1], [], []>, transpose_lhs_hint = false} : vector<256x256xbf16>, vector<256x256xbf16>, vector<256x256xf32> -> vector<256x256xf32>
    %add3A_137 = vector.broadcast %get3A_58 : vector<1x256xf32> to vector<256x256xf32>
    %add3A_138 = arith.addf %dot_general3A_136, %add3A_137 : vector<256x256xf32>
    %swap3A_139 = arith.constant 0 : index
    %swap3A_140 = arith.constant 0 : index
    %swap3A_141 = vector.load %arg5[%swap3A_139, %swap3A_140] : memref<256x2048xf32, #tpu.memory_space<vmem>>, vector<256x256xf32>
    tpu.vector_store %arg5[%swap3A_139, %swap3A_140], %add3A_138 {strides = array<i32>} : memref<256x2048xf32, #tpu.memory_space<vmem>>, vector<256x256xf32>,
    %get3A_142 = arith.constant 0 : index
    %get3A_143 = arith.constant 0 : index
    %get3A_144 = vector.load %arg6[%get3A_142, %get3A_143] : memref<256x2048xbf16, #tpu.memory_space<vmem>>, vector<256x256xbf16>
    %get3A_145 = arith.constant 1 : index
    %get3A_146 = arith.constant 0 : index
    %get3A_147 = memref.load %arg1[%get3A_145, %get3A_146] : memref<8x8xf32, #tpu.memory_space<smem>>
    %convert_element_type3A_148 = arith.truncf %get3A_147 : f32 to bf16
    %mul3A_149 = vector.broadcast %convert_element_type3A_148 : bf16 to vector<256x256xbf16>
    %mul3A_150 = arith.mulf %get3A_144, %mul3A_149 : vector<256x256xbf16>
    %get3A_151 = arith.constant 0 : index
    %get3A_152 = arith.constant 256 : index
    %get3A_153 = vector.load %arg6[%get3A_151, %get3A_152] : memref<256x2048xbf16, #tpu.memory_space<vmem>>, vector<256x256xbf16>
    %get3A_154 = arith.constant 1 : index
    %get3A_155 = arith.constant 1 : index
    %get3A_156 = memref.load %arg1[%get3A_154, %get3A_155] : memref<8x8xf32, #tpu.memory_space<smem>>
    %convert_element_type3A_157 = arith.truncf %get3A_156 : f32 to bf16
    %mul3A_158 = vector.broadcast %convert_element_type3A_157 : bf16 to vector<256x256xbf16>
    %mul3A_159 = arith.mulf %get3A_153, %mul3A_158 : vector<256x256xbf16>
    %add3A_160 = arith.addf %mul3A_150, %mul3A_159 : vector<256x256xbf16>
    %get3A_161 = arith.constant 0 : index
    %get3A_162 = arith.constant 512 : index
    %get3A_163 = vector.load %arg6[%get3A_161, %get3A_162] : memref<256x2048xbf16, #tpu.memory_space<vmem>>, vector<256x256xbf16>
    %get3A_164 = arith.constant 1 : index
    %get3A_165 = arith.constant 2 : index
    %get3A_166 = memref.load %arg1[%get3A_164, %get3A_165] : memref<8x8xf32, #tpu.memory_space<smem>>
    %convert_element_type3A_167 = arith.truncf %get3A_166 : f32 to bf16
    %mul3A_168 = vector.broadcast %convert_element_type3A_167 : bf16 to vector<256x256xbf16>
    %mul3A_169 = arith.mulf %get3A_163, %mul3A_168 : vector<256x256xbf16>
    %add3A_170 = arith.addf %add3A_160, %mul3A_169 : vector<256x256xbf16>
    %get3A_171 = arith.constant 0 : index
    %get3A_172 = arith.constant 768 : index
    %get3A_173 = vector.load %arg6[%get3A_171, %get3A_172] : memref<256x2048xbf16, #tpu.memory_space<vmem>>, vector<256x256xbf16>
    %get3A_174 = arith.constant 1 : index
    %get3A_175 = arith.constant 3 : index
    %get3A_176 = memref.load %arg1[%get3A_174, %get3A_175] : memref<8x8xf32, #tpu.memory_space<smem>>
    %convert_element_type3A_177 = arith.truncf %get3A_176 : f32 to bf16
    %mul3A_178 = vector.broadcast %convert_element_type3A_177 : bf16 to vector<256x256xbf16>
    %mul3A_179 = arith.mulf %get3A_173, %mul3A_178 : vector<256x256xbf16>
    %add3A_180 = arith.addf %add3A_170, %mul3A_179 : vector<256x256xbf16>
    %get3A_181 = arith.constant 0 : index
    %get3A_182 = arith.constant 1024 : index
    %get3A_183 = vector.load %arg6[%get3A_181, %get3A_182] : memref<256x2048xbf16, #tpu.memory_space<vmem>>, vector<256x256xbf16>
    %get3A_184 = arith.constant 1 : index
    %get3A_185 = arith.constant 4 : index
    %get3A_186 = memref.load %arg1[%get3A_184, %get3A_185] : memref<8x8xf32, #tpu.memory_space<smem>>
    %convert_element_type3A_187 = arith.truncf %get3A_186 : f32 to bf16
    %mul3A_188 = vector.broadcast %convert_element_type3A_187 : bf16 to vector<256x256xbf16>
    %mul3A_189 = arith.mulf %get3A_183, %mul3A_188 : vector<256x256xbf16>
    %add3A_190 = arith.addf %add3A_180, %mul3A_189 : vector<256x256xbf16>
    %get3A_191 = arith.constant 0 : index
    %get3A_192 = arith.constant 1280 : index
    %get3A_193 = vector.load %arg6[%get3A_191, %get3A_192] : memref<256x2048xbf16, #tpu.memory_space<vmem>>, vector<256x256xbf16>
    %get3A_194 = arith.constant 1 : index
    %get3A_195 = arith.constant 5 : index
    %get3A_196 = memref.load %arg1[%get3A_194, %get3A_195] : memref<8x8xf32, #tpu.memory_space<smem>>
    %convert_element_type3A_197 = arith.truncf %get3A_196 : f32 to bf16
    %mul3A_198 = vector.broadcast %convert_element_type3A_197 : bf16 to vector<256x256xbf16>
    %mul3A_199 = arith.mulf %get3A_193, %mul3A_198 : vector<256x256xbf16>
    %add3A_200 = arith.addf %add3A_190, %mul3A_199 : vector<256x256xbf16>
    %get3A_201 = arith.constant 0 : index
    %get3A_202 = arith.constant 1536 : index
    %get3A_203 = vector.load %arg6[%get3A_201, %get3A_202] : memref<256x2048xbf16, #tpu.memory_space<vmem>>, vector<256x256xbf16>
    %get3A_204 = arith.constant 1 : index
    %get3A_205 = arith.constant 6 : index
    %get3A_206 = memref.load %arg1[%get3A_204, %get3A_205] : memref<8x8xf32, #tpu.memory_space<smem>>
    %convert_element_type3A_207 = arith.truncf %get3A_206 : f32 to bf16
    %mul3A_208 = vector.broadcast %convert_element_type3A_207 : bf16 to vector<256x256xbf16>
    %mul3A_209 = arith.mulf %get3A_203, %mul3A_208 : vector<256x256xbf16>
    %add3A_210 = arith.addf %add3A_200, %mul3A_209 : vector<256x256xbf16>
    %get3A_211 = arith.constant 0 : index
    %get3A_212 = arith.constant 1792 : index
    %get3A_213 = vector.load %arg6[%get3A_211, %get3A_212] : memref<256x2048xbf16, #tpu.memory_space<vmem>>, vector<256x256xbf16>
    %get3A_214 = arith.constant 1 : index
    %get3A_215 = arith.constant 7 : index
    %get3A_216 = memref.load %arg1[%get3A_214, %get3A_215] : memref<8x8xf32, #tpu.memory_space<smem>>
    %convert_element_type3A_217 = arith.truncf %get3A_216 : f32 to bf16
    %mul3A_218 = vector.broadcast %convert_element_type3A_217 : bf16 to vector<256x256xbf16>
    %mul3A_219 = arith.mulf %get3A_213, %mul3A_218 : vector<256x256xbf16>
    %add3A_220 = arith.addf %add3A_210, %mul3A_219 : vector<256x256xbf16>
    %dot_general3A_221 = arith.constant dense<0.000000e+00> : vector<256x256xf32>
    %dot_general3A_222 = tpu.matmul %add3A_220, %get3A_55, %dot_general3A_221 {dimension_numbers = #tpu.dot_dimension_numbers<[1], [0], [0], [1], [0, 0, 1, 1], [], []>, transpose_lhs_hint = false} : vector<256x256xbf16>, vector<256x256xbf16>, vector<256x256xf32> -> vector<256x256xf32>
    %add3A_223 = vector.broadcast %get3A_58 : vector<1x256xf32> to vector<256x256xf32>
    %add3A_224 = arith.addf %dot_general3A_222, %add3A_223 : vector<256x256xf32>
    %swap3A_225 = arith.constant 0 : index
    %swap3A_226 = arith.constant 256 : index
    %swap3A_227 = vector.load %arg5[%swap3A_225, %swap3A_226] : memref<256x2048xf32, #tpu.memory_space<vmem>>, vector<256x256xf32>
    tpu.vector_store %arg5[%swap3A_225, %swap3A_226], %add3A_224 {strides = array<i32>} : memref<256x2048xf32, #tpu.memory_space<vmem>>, vector<256x256xf32>,
    %get3A_228 = arith.constant 0 : index
    %get3A_229 = arith.constant 0 : index
    %get3A_230 = vector.load %arg6[%get3A_228, %get3A_229] : memref<256x2048xbf16, #tpu.memory_space<vmem>>, vector<256x256xbf16>
    %get3A_231 = arith.constant 2 : index
    %get3A_232 = arith.constant 0 : index
    %get3A_233 = memref.load %arg1[%get3A_231, %get3A_232] : memref<8x8xf32, #tpu.memory_space<smem>>
    %convert_element_type3A_234 = arith.truncf %get3A_233 : f32 to bf16
    %mul3A_235 = vector.broadcast %convert_element_type3A_234 : bf16 to vector<256x256xbf16>
    %mul3A_236 = arith.mulf %get3A_230, %mul3A_235 : vector<256x256xbf16>
    %get3A_237 = arith.constant 0 : index
    %get3A_238 = arith.constant 256 : index
    %get3A_239 = vector.load %arg6[%get3A_237, %get3A_238] : memref<256x2048xbf16, #tpu.memory_space<vmem>>, vector<256x256xbf16>
    %get3A_240 = arith.constant 2 : index
    %get3A_241 = arith.constant 1 : index
    %get3A_242 = memref.load %arg1[%get3A_240, %get3A_241] : memref<8x8xf32, #tpu.memory_space<smem>>
    %convert_element_type3A_243 = arith.truncf %get3A_242 : f32 to bf16
    %mul3A_244 = vector.broadcast %convert_element_type3A_243 : bf16 to vector<256x256xbf16>
    %mul3A_245 = arith.mulf %get3A_239, %mul3A_244 : vector<256x256xbf16>
    %add3A_246 = arith.addf %mul3A_236, %mul3A_245 : vector<256x256xbf16>
    %get3A_247 = arith.constant 0 : index
    %get3A_248 = arith.constant 512 : index
    %get3A_249 = vector.load %arg6[%get3A_247, %get3A_248] : memref<256x2048xbf16, #tpu.memory_space<vmem>>, vector<256x256xbf16>
    %get3A_250 = arith.constant 2 : index
    %get3A_251 = arith.constant 2 : index
    %get3A_252 = memref.load %arg1[%get3A_250, %get3A_251] : memref<8x8xf32, #tpu.memory_space<smem>>
    %convert_element_type3A_253 = arith.truncf %get3A_252 : f32 to bf16
    %mul3A_254 = vector.broadcast %convert_element_type3A_253 : bf16 to vector<256x256xbf16>
    %mul3A_255 = arith.mulf %get3A_249, %mul3A_254 : vector<256x256xbf16>
    %add3A_256 = arith.addf %add3A_246, %mul3A_255 : vector<256x256xbf16>
    %get3A_257 = arith.constant 0 : index
    %get3A_258 = arith.constant 768 : index
    %get3A_259 = vector.load %arg6[%get3A_257, %get3A_258] : memref<256x2048xbf16, #tpu.memory_space<vmem>>, vector<256x256xbf16>
    %get3A_260 = arith.constant 2 : index
    %get3A_261 = arith.constant 3 : index
    %get3A_262 = memref.load %arg1[%get3A_260, %get3A_261] : memref<8x8xf32, #tpu.memory_space<smem>>
    %convert_element_type3A_263 = arith.truncf %get3A_262 : f32 to bf16
    %mul3A_264 = vector.broadcast %convert_element_type3A_263 : bf16 to vector<256x256xbf16>
    %mul3A_265 = arith.mulf %get3A_259, %mul3A_264 : vector<256x256xbf16>
    %add3A_266 = arith.addf %add3A_256, %mul3A_265 : vector<256x256xbf16>
    %get3A_267 = arith.constant 0 : index
    %get3A_268 = arith.constant 1024 : index
    %get3A_269 = vector.load %arg6[%get3A_267, %get3A_268] : memref<256x2048xbf16, #tpu.memory_space<vmem>>, vector<256x256xbf16>
    %get3A_270 = arith.constant 2 : index
    %get3A_271 = arith.constant 4 : index
    %get3A_272 = memref.load %arg1[%get3A_270, %get3A_271] : memref<8x8xf32, #tpu.memory_space<smem>>
    %convert_element_type3A_273 = arith.truncf %get3A_272 : f32 to bf16
    %mul3A_274 = vector.broadcast %convert_element_type3A_273 : bf16 to vector<256x256xbf16>
    %mul3A_275 = arith.mulf %get3A_269, %mul3A_274 : vector<256x256xbf16>
    %add3A_276 = arith.addf %add3A_266, %mul3A_275 : vector<256x256xbf16>
    %get3A_277 = arith.constant 0 : index
    %get3A_278 = arith.constant 1280 : index
    %get3A_279 = vector.load %arg6[%get3A_277, %get3A_278] : memref<256x2048xbf16, #tpu.memory_space<vmem>>, vector<256x256xbf16>
    %get3A_280 = arith.constant 2 : index
    %get3A_281 = arith.constant 5 : index
    %get3A_282 = memref.load %arg1[%get3A_280, %get3A_281] : memref<8x8xf32, #tpu.memory_space<smem>>
    %convert_element_type3A_283 = arith.truncf %get3A_282 : f32 to bf16
    %mul3A_284 = vector.broadcast %convert_element_type3A_283 : bf16 to vector<256x256xbf16>
    %mul3A_285 = arith.mulf %get3A_279, %mul3A_284 : vector<256x256xbf16>
    %add3A_286 = arith.addf %add3A_276, %mul3A_285 : vector<256x256xbf16>
    %get3A_287 = arith.constant 0 : index
    %get3A_288 = arith.constant 1536 : index
    %get3A_289 = vector.load %arg6[%get3A_287, %get3A_288] : memref<256x2048xbf16, #tpu.memory_space<vmem>>, vector<256x256xbf16>
    %get3A_290 = arith.constant 2 : index
    %get3A_291 = arith.constant 6 : index
    %get3A_292 = memref.load %arg1[%get3A_290, %get3A_291] : memref<8x8xf32, #tpu.memory_space<smem>>
    %convert_element_type3A_293 = arith.truncf %get3A_292 : f32 to bf16
    %mul3A_294 = vector.broadcast %convert_element_type3A_293 : bf16 to vector<256x256xbf16>
    %mul3A_295 = arith.mulf %get3A_289, %mul3A_294 : vector<256x256xbf16>
    %add3A_296 = arith.addf %add3A_286, %mul3A_295 : vector<256x256xbf16>
    %get3A_297 = arith.constant 0 : index
    %get3A_298 = arith.constant 1792 : index
    %get3A_299 = vector.load %arg6[%get3A_297, %get3A_298] : memref<256x2048xbf16, #tpu.memory_space<vmem>>, vector<256x256xbf16>
    %get3A_300 = arith.constant 2 : index
    %get3A_301 = arith.constant 7 : index
    %get3A_302 = memref.load %arg1[%get3A_300, %get3A_301] : memref<8x8xf32, #tpu.memory_space<smem>>
    %convert_element_type3A_303 = arith.truncf %get3A_302 : f32 to bf16
    %mul3A_304 = vector.broadcast %convert_element_type3A_303 : bf16 to vector<256x256xbf16>
    %mul3A_305 = arith.mulf %get3A_299, %mul3A_304 : vector<256x256xbf16>
    %add3A_306 = arith.addf %add3A_296, %mul3A_305 : vector<256x256xbf16>
    %dot_general3A_307 = arith.constant dense<0.000000e+00> : vector<256x256xf32>
    %dot_general3A_308 = tpu.matmul %add3A_306, %get3A_55, %dot_general3A_307 {dimension_numbers = #tpu.dot_dimension_numbers<[1], [0], [0], [1], [0, 0, 1, 1], [], []>, transpose_lhs_hint = false} : vector<256x256xbf16>, vector<256x256xbf16>, vector<256x256xf32> -> vector<256x256xf32>
    %add3A_309 = vector.broadcast %get3A_58 : vector<1x256xf32> to vector<256x256xf32>
    %add3A_310 = arith.addf %dot_general3A_308, %add3A_309 : vector<256x256xf32>
    %swap3A_311 = arith.constant 0 : index
    %swap3A_312 = arith.constant 512 : index
    %swap3A_313 = vector.load %arg5[%swap3A_311, %swap3A_312] : memref<256x2048xf32, #tpu.memory_space<vmem>>, vector<256x256xf32>
    tpu.vector_store %arg5[%swap3A_311, %swap3A_312], %add3A_310 {strides = array<i32>} : memref<256x2048xf32, #tpu.memory_space<vmem>>, vector<256x256xf32>,
    %get3A_314 = arith.constant 0 : index
    %get3A_315 = arith.constant 0 : index
    %get3A_316 = vector.load %arg6[%get3A_314, %get3A_315] : memref<256x2048xbf16, #tpu.memory_space<vmem>>, vector<256x256xbf16>
    %get3A_317 = arith.constant 3 : index
    %get3A_318 = arith.constant 0 : index
    %get3A_319 = memref.load %arg1[%get3A_317, %get3A_318] : memref<8x8xf32, #tpu.memory_space<smem>>
    %convert_element_type3A_320 = arith.truncf %get3A_319 : f32 to bf16
    %mul3A_321 = vector.broadcast %convert_element_type3A_320 : bf16 to vector<256x256xbf16>
    %mul3A_322 = arith.mulf %get3A_316, %mul3A_321 : vector<256x256xbf16>
    %get3A_323 = arith.constant 0 : index
    %get3A_324 = arith.constant 256 : index
    %get3A_325 = vector.load %arg6[%get3A_323, %get3A_324] : memref<256x2048xbf16, #tpu.memory_space<vmem>>, vector<256x256xbf16>
    %get3A_326 = arith.constant 3 : index
    %get3A_327 = arith.constant 1 : index
    %get3A_328 = memref.load %arg1[%get3A_326, %get3A_327] : memref<8x8xf32, #tpu.memory_space<smem>>
    %convert_element_type3A_329 = arith.truncf %get3A_328 : f32 to bf16
    %mul3A_330 = vector.broadcast %convert_element_type3A_329 : bf16 to vector<256x256xbf16>
    %mul3A_331 = arith.mulf %get3A_325, %mul3A_330 : vector<256x256xbf16>
    %add3A_332 = arith.addf %mul3A_322, %mul3A_331 : vector<256x256xbf16>
    %get3A_333 = arith.constant 0 : index
    %get3A_334 = arith.constant 512 : index
    %get3A_335 = vector.load %arg6[%get3A_333, %get3A_334] : memref<256x2048xbf16, #tpu.memory_space<vmem>>, vector<256x256xbf16>
    %get3A_336 = arith.constant 3 : index
    %get3A_337 = arith.constant 2 : index
    %get3A_338 = memref.load %arg1[%get3A_336, %get3A_337] : memref<8x8xf32, #tpu.memory_space<smem>>
    %convert_element_type3A_339 = arith.truncf %get3A_338 : f32 to bf16
    %mul3A_340 = vector.broadcast %convert_element_type3A_339 : bf16 to vector<256x256xbf16>
    %mul3A_341 = arith.mulf %get3A_335, %mul3A_340 : vector<256x256xbf16>
    %add3A_342 = arith.addf %add3A_332, %mul3A_341 : vector<256x256xbf16>
    %get3A_343 = arith.constant 0 : index
    %get3A_344 = arith.constant 768 : index
    %get3A_345 = vector.load %arg6[%get3A_343, %get3A_344] : memref<256x2048xbf16, #tpu.memory_space<vmem>>, vector<256x256xbf16>
    %get3A_346 = arith.constant 3 : index
    %get3A_347 = arith.constant 3 : index
    %get3A_348 = memref.load %arg1[%get3A_346, %get3A_347] : memref<8x8xf32, #tpu.memory_space<smem>>
    %convert_element_type3A_349 = arith.truncf %get3A_348 : f32 to bf16
    %mul3A_350 = vector.broadcast %convert_element_type3A_349 : bf16 to vector<256x256xbf16>
    %mul3A_351 = arith.mulf %get3A_345, %mul3A_350 : vector<256x256xbf16>
    %add3A_352 = arith.addf %add3A_342, %mul3A_351 : vector<256x256xbf16>
    %get3A_353 = arith.constant 0 : index
    %get3A_354 = arith.constant 1024 : index
    %get3A_355 = vector.load %arg6[%get3A_353, %get3A_354] : memref<256x2048xbf16, #tpu.memory_space<vmem>>, vector<256x256xbf16>
    %get3A_356 = arith.constant 3 : index
    %get3A_357 = arith.constant 4 : index
    %get3A_358 = memref.load %arg1[%get3A_356, %get3A_357] : memref<8x8xf32, #tpu.memory_space<smem>>
    %convert_element_type3A_359 = arith.truncf %get3A_358 : f32 to bf16
    %mul3A_360 = vector.broadcast %convert_element_type3A_359 : bf16 to vector<256x256xbf16>
    %mul3A_361 = arith.mulf %get3A_355, %mul3A_360 : vector<256x256xbf16>
    %add3A_362 = arith.addf %add3A_352, %mul3A_361 : vector<256x256xbf16>
    %get3A_363 = arith.constant 0 : index
    %get3A_364 = arith.constant 1280 : index
    %get3A_365 = vector.load %arg6[%get3A_363, %get3A_364] : memref<256x2048xbf16, #tpu.memory_space<vmem>>, vector<256x256xbf16>
    %get3A_366 = arith.constant 3 : index
    %get3A_367 = arith.constant 5 : index
    %get3A_368 = memref.load %arg1[%get3A_366, %get3A_367] : memref<8x8xf32, #tpu.memory_space<smem>>
    %convert_element_type3A_369 = arith.truncf %get3A_368 : f32 to bf16
    %mul3A_370 = vector.broadcast %convert_element_type3A_369 : bf16 to vector<256x256xbf16>
    %mul3A_371 = arith.mulf %get3A_365, %mul3A_370 : vector<256x256xbf16>
    %add3A_372 = arith.addf %add3A_362, %mul3A_371 : vector<256x256xbf16>
    %get3A_373 = arith.constant 0 : index
    %get3A_374 = arith.constant 1536 : index
    %get3A_375 = vector.load %arg6[%get3A_373, %get3A_374] : memref<256x2048xbf16, #tpu.memory_space<vmem>>, vector<256x256xbf16>
    %get3A_376 = arith.constant 3 : index
    %get3A_377 = arith.constant 6 : index
    %get3A_378 = memref.load %arg1[%get3A_376, %get3A_377] : memref<8x8xf32, #tpu.memory_space<smem>>
    %convert_element_type3A_379 = arith.truncf %get3A_378 : f32 to bf16
    %mul3A_380 = vector.broadcast %convert_element_type3A_379 : bf16 to vector<256x256xbf16>
    %mul3A_381 = arith.mulf %get3A_375, %mul3A_380 : vector<256x256xbf16>
    %add3A_382 = arith.addf %add3A_372, %mul3A_381 : vector<256x256xbf16>
    %get3A_383 = arith.constant 0 : index
    %get3A_384 = arith.constant 1792 : index
    %get3A_385 = vector.load %arg6[%get3A_383, %get3A_384] : memref<256x2048xbf16, #tpu.memory_space<vmem>>, vector<256x256xbf16>
    %get3A_386 = arith.constant 3 : index
    %get3A_387 = arith.constant 7 : index
    %get3A_388 = memref.load %arg1[%get3A_386, %get3A_387] : memref<8x8xf32, #tpu.memory_space<smem>>
    %convert_element_type3A_389 = arith.truncf %get3A_388 : f32 to bf16
    %mul3A_390 = vector.broadcast %convert_element_type3A_389 : bf16 to vector<256x256xbf16>
    %mul3A_391 = arith.mulf %get3A_385, %mul3A_390 : vector<256x256xbf16>
    %add3A_392 = arith.addf %add3A_382, %mul3A_391 : vector<256x256xbf16>
    %dot_general3A_393 = arith.constant dense<0.000000e+00> : vector<256x256xf32>
    %dot_general3A_394 = tpu.matmul %add3A_392, %get3A_55, %dot_general3A_393 {dimension_numbers = #tpu.dot_dimension_numbers<[1], [0], [0], [1], [0, 0, 1, 1], [], []>, transpose_lhs_hint = false} : vector<256x256xbf16>, vector<256x256xbf16>, vector<256x256xf32> -> vector<256x256xf32>
    %add3A_395 = vector.broadcast %get3A_58 : vector<1x256xf32> to vector<256x256xf32>
    %add3A_396 = arith.addf %dot_general3A_394, %add3A_395 : vector<256x256xf32>
    %swap3A_397 = arith.constant 0 : index
    %swap3A_398 = arith.constant 768 : index
    %swap3A_399 = vector.load %arg5[%swap3A_397, %swap3A_398] : memref<256x2048xf32, #tpu.memory_space<vmem>>, vector<256x256xf32>
    tpu.vector_store %arg5[%swap3A_397, %swap3A_398], %add3A_396 {strides = array<i32>} : memref<256x2048xf32, #tpu.memory_space<vmem>>, vector<256x256xf32>,
    %get3A_400 = arith.constant 0 : index
    %get3A_401 = arith.constant 0 : index
    %get3A_402 = vector.load %arg6[%get3A_400, %get3A_401] : memref<256x2048xbf16, #tpu.memory_space<vmem>>, vector<256x256xbf16>
    %get3A_403 = arith.constant 4 : index
    %get3A_404 = arith.constant 0 : index
    %get3A_405 = memref.load %arg1[%get3A_403, %get3A_404] : memref<8x8xf32, #tpu.memory_space<smem>>
    %convert_element_type3A_406 = arith.truncf %get3A_405 : f32 to bf16
    %mul3A_407 = vector.broadcast %convert_element_type3A_406 : bf16 to vector<256x256xbf16>
    %mul3A_408 = arith.mulf %get3A_402, %mul3A_407 : vector<256x256xbf16>
    %get3A_409 = arith.constant 0 : index
    %get3A_410 = arith.constant 256 : index
    %get3A_411 = vector.load %arg6[%get3A_409, %get3A_410] : memref<256x2048xbf16, #tpu.memory_space<vmem>>, vector<256x256xbf16>
    %get3A_412 = arith.constant 4 : index
    %get3A_413 = arith.constant 1 : index
    %get3A_414 = memref.load %arg1[%get3A_412, %get3A_413] : memref<8x8xf32, #tpu.memory_space<smem>>
    %convert_element_type3A_415 = arith.truncf %get3A_414 : f32 to bf16
    %mul3A_416 = vector.broadcast %convert_element_type3A_415 : bf16 to vector<256x256xbf16>
    %mul3A_417 = arith.mulf %get3A_411, %mul3A_416 : vector<256x256xbf16>
    %add3A_418 = arith.addf %mul3A_408, %mul3A_417 : vector<256x256xbf16>
    %get3A_419 = arith.constant 0 : index
    %get3A_420 = arith.constant 512 : index
    %get3A_421 = vector.load %arg6[%get3A_419, %get3A_420] : memref<256x2048xbf16, #tpu.memory_space<vmem>>, vector<256x256xbf16>
    %get3A_422 = arith.constant 4 : index
    %get3A_423 = arith.constant 2 : index
    %get3A_424 = memref.load %arg1[%get3A_422, %get3A_423] : memref<8x8xf32, #tpu.memory_space<smem>>
    %convert_element_type3A_425 = arith.truncf %get3A_424 : f32 to bf16
    %mul3A_426 = vector.broadcast %convert_element_type3A_425 : bf16 to vector<256x256xbf16>
    %mul3A_427 = arith.mulf %get3A_421, %mul3A_426 : vector<256x256xbf16>
    %add3A_428 = arith.addf %add3A_418, %mul3A_427 : vector<256x256xbf16>
    %get3A_429 = arith.constant 0 : index
    %get3A_430 = arith.constant 768 : index
    %get3A_431 = vector.load %arg6[%get3A_429, %get3A_430] : memref<256x2048xbf16, #tpu.memory_space<vmem>>, vector<256x256xbf16>
    %get3A_432 = arith.constant 4 : index
    %get3A_433 = arith.constant 3 : index
    %get3A_434 = memref.load %arg1[%get3A_432, %get3A_433] : memref<8x8xf32, #tpu.memory_space<smem>>
    %convert_element_type3A_435 = arith.truncf %get3A_434 : f32 to bf16
    %mul3A_436 = vector.broadcast %convert_element_type3A_435 : bf16 to vector<256x256xbf16>
    %mul3A_437 = arith.mulf %get3A_431, %mul3A_436 : vector<256x256xbf16>
    %add3A_438 = arith.addf %add3A_428, %mul3A_437 : vector<256x256xbf16>
    %get3A_439 = arith.constant 0 : index
    %get3A_440 = arith.constant 1024 : index
    %get3A_441 = vector.load %arg6[%get3A_439, %get3A_440] : memref<256x2048xbf16, #tpu.memory_space<vmem>>, vector<256x256xbf16>
    %get3A_442 = arith.constant 4 : index
    %get3A_443 = arith.constant 4 : index
    %get3A_444 = memref.load %arg1[%get3A_442, %get3A_443] : memref<8x8xf32, #tpu.memory_space<smem>>
    %convert_element_type3A_445 = arith.truncf %get3A_444 : f32 to bf16
    %mul3A_446 = vector.broadcast %convert_element_type3A_445 : bf16 to vector<256x256xbf16>
    %mul3A_447 = arith.mulf %get3A_441, %mul3A_446 : vector<256x256xbf16>
    %add3A_448 = arith.addf %add3A_438, %mul3A_447 : vector<256x256xbf16>
    %get3A_449 = arith.constant 0 : index
    %get3A_450 = arith.constant 1280 : index
    %get3A_451 = vector.load %arg6[%get3A_449, %get3A_450] : memref<256x2048xbf16, #tpu.memory_space<vmem>>, vector<256x256xbf16>
    %get3A_452 = arith.constant 4 : index
    %get3A_453 = arith.constant 5 : index
    %get3A_454 = memref.load %arg1[%get3A_452, %get3A_453] : memref<8x8xf32, #tpu.memory_space<smem>>
    %convert_element_type3A_455 = arith.truncf %get3A_454 : f32 to bf16
    %mul3A_456 = vector.broadcast %convert_element_type3A_455 : bf16 to vector<256x256xbf16>
    %mul3A_457 = arith.mulf %get3A_451, %mul3A_456 : vector<256x256xbf16>
    %add3A_458 = arith.addf %add3A_448, %mul3A_457 : vector<256x256xbf16>
    %get3A_459 = arith.constant 0 : index
    %get3A_460 = arith.constant 1536 : index
    %get3A_461 = vector.load %arg6[%get3A_459, %get3A_460] : memref<256x2048xbf16, #tpu.memory_space<vmem>>, vector<256x256xbf16>
    %get3A_462 = arith.constant 4 : index
    %get3A_463 = arith.constant 6 : index
    %get3A_464 = memref.load %arg1[%get3A_462, %get3A_463] : memref<8x8xf32, #tpu.memory_space<smem>>
    %convert_element_type3A_465 = arith.truncf %get3A_464 : f32 to bf16
    %mul3A_466 = vector.broadcast %convert_element_type3A_465 : bf16 to vector<256x256xbf16>
    %mul3A_467 = arith.mulf %get3A_461, %mul3A_466 : vector<256x256xbf16>
    %add3A_468 = arith.addf %add3A_458, %mul3A_467 : vector<256x256xbf16>
    %get3A_469 = arith.constant 0 : index
    %get3A_470 = arith.constant 1792 : index
    %get3A_471 = vector.load %arg6[%get3A_469, %get3A_470] : memref<256x2048xbf16, #tpu.memory_space<vmem>>, vector<256x256xbf16>
    %get3A_472 = arith.constant 4 : index
    %get3A_473 = arith.constant 7 : index
    %get3A_474 = memref.load %arg1[%get3A_472, %get3A_473] : memref<8x8xf32, #tpu.memory_space<smem>>
    %convert_element_type3A_475 = arith.truncf %get3A_474 : f32 to bf16
    %mul3A_476 = vector.broadcast %convert_element_type3A_475 : bf16 to vector<256x256xbf16>
    %mul3A_477 = arith.mulf %get3A_471, %mul3A_476 : vector<256x256xbf16>
    %add3A_478 = arith.addf %add3A_468, %mul3A_477 : vector<256x256xbf16>
    %dot_general3A_479 = arith.constant dense<0.000000e+00> : vector<256x256xf32>
    %dot_general3A_480 = tpu.matmul %add3A_478, %get3A_55, %dot_general3A_479 {dimension_numbers = #tpu.dot_dimension_numbers<[1], [0], [0], [1], [0, 0, 1, 1], [], []>, transpose_lhs_hint = false} : vector<256x256xbf16>, vector<256x256xbf16>, vector<256x256xf32> -> vector<256x256xf32>
    %add3A_481 = vector.broadcast %get3A_58 : vector<1x256xf32> to vector<256x256xf32>
    %add3A_482 = arith.addf %dot_general3A_480, %add3A_481 : vector<256x256xf32>
    %swap3A_483 = arith.constant 0 : index
    %swap3A_484 = arith.constant 1024 : index
    %swap3A_485 = vector.load %arg5[%swap3A_483, %swap3A_484] : memref<256x2048xf32, #tpu.memory_space<vmem>>, vector<256x256xf32>
    tpu.vector_store %arg5[%swap3A_483, %swap3A_484], %add3A_482 {strides = array<i32>} : memref<256x2048xf32, #tpu.memory_space<vmem>>, vector<256x256xf32>,
    %get3A_486 = arith.constant 0 : index
    %get3A_487 = arith.constant 0 : index
    %get3A_488 = vector.load %arg6[%get3A_486, %get3A_487] : memref<256x2048xbf16, #tpu.memory_space<vmem>>, vector<256x256xbf16>
    %get3A_489 = arith.constant 5 : index
    %get3A_490 = arith.constant 0 : index
    %get3A_491 = memref.load %arg1[%get3A_489, %get3A_490] : memref<8x8xf32, #tpu.memory_space<smem>>
    %convert_element_type3A_492 = arith.truncf %get3A_491 : f32 to bf16
    %mul3A_493 = vector.broadcast %convert_element_type3A_492 : bf16 to vector<256x256xbf16>
    %mul3A_494 = arith.mulf %get3A_488, %mul3A_493 : vector<256x256xbf16>
    %get3A_495 = arith.constant 0 : index
    %get3A_496 = arith.constant 256 : index
    %get3A_497 = vector.load %arg6[%get3A_495, %get3A_496] : memref<256x2048xbf16, #tpu.memory_space<vmem>>, vector<256x256xbf16>
    %get3A_498 = arith.constant 5 : index
    %get3A_499 = arith.constant 1 : index
    %get3A_500 = memref.load %arg1[%get3A_498, %get3A_499] : memref<8x8xf32, #tpu.memory_space<smem>>
    %convert_element_type3A_501 = arith.truncf %get3A_500 : f32 to bf16
    %mul3A_502 = vector.broadcast %convert_element_type3A_501 : bf16 to vector<256x256xbf16>
    %mul3A_503 = arith.mulf %get3A_497, %mul3A_502 : vector<256x256xbf16>
    %add3A_504 = arith.addf %mul3A_494, %mul3A_503 : vector<256x256xbf16>
    %get3A_505 = arith.constant 0 : index
    %get3A_506 = arith.constant 512 : index
    %get3A_507 = vector.load %arg6[%get3A_505, %get3A_506] : memref<256x2048xbf16, #tpu.memory_space<vmem>>, vector<256x256xbf16>
    %get3A_508 = arith.constant 5 : index
    %get3A_509 = arith.constant 2 : index
    %get3A_510 = memref.load %arg1[%get3A_508, %get3A_509] : memref<8x8xf32, #tpu.memory_space<smem>>
    %convert_element_type3A_511 = arith.truncf %get3A_510 : f32 to bf16
    %mul3A_512 = vector.broadcast %convert_element_type3A_511 : bf16 to vector<256x256xbf16>
    %mul3A_513 = arith.mulf %get3A_507, %mul3A_512 : vector<256x256xbf16>
    %add3A_514 = arith.addf %add3A_504, %mul3A_513 : vector<256x256xbf16>
    %get3A_515 = arith.constant 0 : index
    %get3A_516 = arith.constant 768 : index
    %get3A_517 = vector.load %arg6[%get3A_515, %get3A_516] : memref<256x2048xbf16, #tpu.memory_space<vmem>>, vector<256x256xbf16>
    %get3A_518 = arith.constant 5 : index
    %get3A_519 = arith.constant 3 : index
    %get3A_520 = memref.load %arg1[%get3A_518, %get3A_519] : memref<8x8xf32, #tpu.memory_space<smem>>
    %convert_element_type3A_521 = arith.truncf %get3A_520 : f32 to bf16
    %mul3A_522 = vector.broadcast %convert_element_type3A_521 : bf16 to vector<256x256xbf16>
    %mul3A_523 = arith.mulf %get3A_517, %mul3A_522 : vector<256x256xbf16>
    %add3A_524 = arith.addf %add3A_514, %mul3A_523 : vector<256x256xbf16>
    %get3A_525 = arith.constant 0 : index
    %get3A_526 = arith.constant 1024 : index
    %get3A_527 = vector.load %arg6[%get3A_525, %get3A_526] : memref<256x2048xbf16, #tpu.memory_space<vmem>>, vector<256x256xbf16>
    %get3A_528 = arith.constant 5 : index
    %get3A_529 = arith.constant 4 : index
    %get3A_530 = memref.load %arg1[%get3A_528, %get3A_529] : memref<8x8xf32, #tpu.memory_space<smem>>
    %convert_element_type3A_531 = arith.truncf %get3A_530 : f32 to bf16
    %mul3A_532 = vector.broadcast %convert_element_type3A_531 : bf16 to vector<256x256xbf16>
    %mul3A_533 = arith.mulf %get3A_527, %mul3A_532 : vector<256x256xbf16>
    %add3A_534 = arith.addf %add3A_524, %mul3A_533 : vector<256x256xbf16>
    %get3A_535 = arith.constant 0 : index
    %get3A_536 = arith.constant 1280 : index
    %get3A_537 = vector.load %arg6[%get3A_535, %get3A_536] : memref<256x2048xbf16, #tpu.memory_space<vmem>>, vector<256x256xbf16>
    %get3A_538 = arith.constant 5 : index
    %get3A_539 = arith.constant 5 : index
    %get3A_540 = memref.load %arg1[%get3A_538, %get3A_539] : memref<8x8xf32, #tpu.memory_space<smem>>
    %convert_element_type3A_541 = arith.truncf %get3A_540 : f32 to bf16
    %mul3A_542 = vector.broadcast %convert_element_type3A_541 : bf16 to vector<256x256xbf16>
    %mul3A_543 = arith.mulf %get3A_537, %mul3A_542 : vector<256x256xbf16>
    %add3A_544 = arith.addf %add3A_534, %mul3A_543 : vector<256x256xbf16>
    %get3A_545 = arith.constant 0 : index
    %get3A_546 = arith.constant 1536 : index
    %get3A_547 = vector.load %arg6[%get3A_545, %get3A_546] : memref<256x2048xbf16, #tpu.memory_space<vmem>>, vector<256x256xbf16>
    %get3A_548 = arith.constant 5 : index
    %get3A_549 = arith.constant 6 : index
    %get3A_550 = memref.load %arg1[%get3A_548, %get3A_549] : memref<8x8xf32, #tpu.memory_space<smem>>
    %convert_element_type3A_551 = arith.truncf %get3A_550 : f32 to bf16
    %mul3A_552 = vector.broadcast %convert_element_type3A_551 : bf16 to vector<256x256xbf16>
    %mul3A_553 = arith.mulf %get3A_547, %mul3A_552 : vector<256x256xbf16>
    %add3A_554 = arith.addf %add3A_544, %mul3A_553 : vector<256x256xbf16>
    %get3A_555 = arith.constant 0 : index
    %get3A_556 = arith.constant 1792 : index
    %get3A_557 = vector.load %arg6[%get3A_555, %get3A_556] : memref<256x2048xbf16, #tpu.memory_space<vmem>>, vector<256x256xbf16>
    %get3A_558 = arith.constant 5 : index
    %get3A_559 = arith.constant 7 : index
    %get3A_560 = memref.load %arg1[%get3A_558, %get3A_559] : memref<8x8xf32, #tpu.memory_space<smem>>
    %convert_element_type3A_561 = arith.truncf %get3A_560 : f32 to bf16
    %mul3A_562 = vector.broadcast %convert_element_type3A_561 : bf16 to vector<256x256xbf16>
    %mul3A_563 = arith.mulf %get3A_557, %mul3A_562 : vector<256x256xbf16>
    %add3A_564 = arith.addf %add3A_554, %mul3A_563 : vector<256x256xbf16>
    %dot_general3A_565 = arith.constant dense<0.000000e+00> : vector<256x256xf32>
    %dot_general3A_566 = tpu.matmul %add3A_564, %get3A_55, %dot_general3A_565 {dimension_numbers = #tpu.dot_dimension_numbers<[1], [0], [0], [1], [0, 0, 1, 1], [], []>, transpose_lhs_hint = false} : vector<256x256xbf16>, vector<256x256xbf16>, vector<256x256xf32> -> vector<256x256xf32>
    %add3A_567 = vector.broadcast %get3A_58 : vector<1x256xf32> to vector<256x256xf32>
    %add3A_568 = arith.addf %dot_general3A_566, %add3A_567 : vector<256x256xf32>
    %swap3A_569 = arith.constant 0 : index
    %swap3A_570 = arith.constant 1280 : index
    %swap3A_571 = vector.load %arg5[%swap3A_569, %swap3A_570] : memref<256x2048xf32, #tpu.memory_space<vmem>>, vector<256x256xf32>
    tpu.vector_store %arg5[%swap3A_569, %swap3A_570], %add3A_568 {strides = array<i32>} : memref<256x2048xf32, #tpu.memory_space<vmem>>, vector<256x256xf32>,
    %get3A_572 = arith.constant 0 : index
    %get3A_573 = arith.constant 0 : index
    %get3A_574 = vector.load %arg6[%get3A_572, %get3A_573] : memref<256x2048xbf16, #tpu.memory_space<vmem>>, vector<256x256xbf16>
    %get3A_575 = arith.constant 6 : index
    %get3A_576 = arith.constant 0 : index
    %get3A_577 = memref.load %arg1[%get3A_575, %get3A_576] : memref<8x8xf32, #tpu.memory_space<smem>>
    %convert_element_type3A_578 = arith.truncf %get3A_577 : f32 to bf16
    %mul3A_579 = vector.broadcast %convert_element_type3A_578 : bf16 to vector<256x256xbf16>
    %mul3A_580 = arith.mulf %get3A_574, %mul3A_579 : vector<256x256xbf16>
    %get3A_581 = arith.constant 0 : index
    %get3A_582 = arith.constant 256 : index
    %get3A_583 = vector.load %arg6[%get3A_581, %get3A_582] : memref<256x2048xbf16, #tpu.memory_space<vmem>>, vector<256x256xbf16>
    %get3A_584 = arith.constant 6 : index
    %get3A_585 = arith.constant 1 : index
    %get3A_586 = memref.load %arg1[%get3A_584, %get3A_585] : memref<8x8xf32, #tpu.memory_space<smem>>
    %convert_element_type3A_587 = arith.truncf %get3A_586 : f32 to bf16
    %mul3A_588 = vector.broadcast %convert_element_type3A_587 : bf16 to vector<256x256xbf16>
    %mul3A_589 = arith.mulf %get3A_583, %mul3A_588 : vector<256x256xbf16>
    %add3A_590 = arith.addf %mul3A_580, %mul3A_589 : vector<256x256xbf16>
    %get3A_591 = arith.constant 0 : index
    %get3A_592 = arith.constant 512 : index
    %get3A_593 = vector.load %arg6[%get3A_591, %get3A_592] : memref<256x2048xbf16, #tpu.memory_space<vmem>>, vector<256x256xbf16>
    %get3A_594 = arith.constant 6 : index
    %get3A_595 = arith.constant 2 : index
    %get3A_596 = memref.load %arg1[%get3A_594, %get3A_595] : memref<8x8xf32, #tpu.memory_space<smem>>
    %convert_element_type3A_597 = arith.truncf %get3A_596 : f32 to bf16
    %mul3A_598 = vector.broadcast %convert_element_type3A_597 : bf16 to vector<256x256xbf16>
    %mul3A_599 = arith.mulf %get3A_593, %mul3A_598 : vector<256x256xbf16>
    %add3A_600 = arith.addf %add3A_590, %mul3A_599 : vector<256x256xbf16>
    %get3A_601 = arith.constant 0 : index
    %get3A_602 = arith.constant 768 : index
    %get3A_603 = vector.load %arg6[%get3A_601, %get3A_602] : memref<256x2048xbf16, #tpu.memory_space<vmem>>, vector<256x256xbf16>
    %get3A_604 = arith.constant 6 : index
    %get3A_605 = arith.constant 3 : index
    %get3A_606 = memref.load %arg1[%get3A_604, %get3A_605] : memref<8x8xf32, #tpu.memory_space<smem>>
    %convert_element_type3A_607 = arith.truncf %get3A_606 : f32 to bf16
    %mul3A_608 = vector.broadcast %convert_element_type3A_607 : bf16 to vector<256x256xbf16>
    %mul3A_609 = arith.mulf %get3A_603, %mul3A_608 : vector<256x256xbf16>
    %add3A_610 = arith.addf %add3A_600, %mul3A_609 : vector<256x256xbf16>
    %get3A_611 = arith.constant 0 : index
    %get3A_612 = arith.constant 1024 : index
    %get3A_613 = vector.load %arg6[%get3A_611, %get3A_612] : memref<256x2048xbf16, #tpu.memory_space<vmem>>, vector<256x256xbf16>
    %get3A_614 = arith.constant 6 : index
    %get3A_615 = arith.constant 4 : index
    %get3A_616 = memref.load %arg1[%get3A_614, %get3A_615] : memref<8x8xf32, #tpu.memory_space<smem>>
    %convert_element_type3A_617 = arith.truncf %get3A_616 : f32 to bf16
    %mul3A_618 = vector.broadcast %convert_element_type3A_617 : bf16 to vector<256x256xbf16>
    %mul3A_619 = arith.mulf %get3A_613, %mul3A_618 : vector<256x256xbf16>
    %add3A_620 = arith.addf %add3A_610, %mul3A_619 : vector<256x256xbf16>
    %get3A_621 = arith.constant 0 : index
    %get3A_622 = arith.constant 1280 : index
    %get3A_623 = vector.load %arg6[%get3A_621, %get3A_622] : memref<256x2048xbf16, #tpu.memory_space<vmem>>, vector<256x256xbf16>
    %get3A_624 = arith.constant 6 : index
    %get3A_625 = arith.constant 5 : index
    %get3A_626 = memref.load %arg1[%get3A_624, %get3A_625] : memref<8x8xf32, #tpu.memory_space<smem>>
    %convert_element_type3A_627 = arith.truncf %get3A_626 : f32 to bf16
    %mul3A_628 = vector.broadcast %convert_element_type3A_627 : bf16 to vector<256x256xbf16>
    %mul3A_629 = arith.mulf %get3A_623, %mul3A_628 : vector<256x256xbf16>
    %add3A_630 = arith.addf %add3A_620, %mul3A_629 : vector<256x256xbf16>
    %get3A_631 = arith.constant 0 : index
    %get3A_632 = arith.constant 1536 : index
    %get3A_633 = vector.load %arg6[%get3A_631, %get3A_632] : memref<256x2048xbf16, #tpu.memory_space<vmem>>, vector<256x256xbf16>
    %get3A_634 = arith.constant 6 : index
    %get3A_635 = arith.constant 6 : index
    %get3A_636 = memref.load %arg1[%get3A_634, %get3A_635] : memref<8x8xf32, #tpu.memory_space<smem>>
    %convert_element_type3A_637 = arith.truncf %get3A_636 : f32 to bf16
    %mul3A_638 = vector.broadcast %convert_element_type3A_637 : bf16 to vector<256x256xbf16>
    %mul3A_639 = arith.mulf %get3A_633, %mul3A_638 : vector<256x256xbf16>
    %add3A_640 = arith.addf %add3A_630, %mul3A_639 : vector<256x256xbf16>
    %get3A_641 = arith.constant 0 : index
    %get3A_642 = arith.constant 1792 : index
    %get3A_643 = vector.load %arg6[%get3A_641, %get3A_642] : memref<256x2048xbf16, #tpu.memory_space<vmem>>, vector<256x256xbf16>
    %get3A_644 = arith.constant 6 : index
    %get3A_645 = arith.constant 7 : index
    %get3A_646 = memref.load %arg1[%get3A_644, %get3A_645] : memref<8x8xf32, #tpu.memory_space<smem>>
    %convert_element_type3A_647 = arith.truncf %get3A_646 : f32 to bf16
    %mul3A_648 = vector.broadcast %convert_element_type3A_647 : bf16 to vector<256x256xbf16>
    %mul3A_649 = arith.mulf %get3A_643, %mul3A_648 : vector<256x256xbf16>
    %add3A_650 = arith.addf %add3A_640, %mul3A_649 : vector<256x256xbf16>
    %dot_general3A_651 = arith.constant dense<0.000000e+00> : vector<256x256xf32>
    %dot_general3A_652 = tpu.matmul %add3A_650, %get3A_55, %dot_general3A_651 {dimension_numbers = #tpu.dot_dimension_numbers<[1], [0], [0], [1], [0, 0, 1, 1], [], []>, transpose_lhs_hint = false} : vector<256x256xbf16>, vector<256x256xbf16>, vector<256x256xf32> -> vector<256x256xf32>
    %add3A_653 = vector.broadcast %get3A_58 : vector<1x256xf32> to vector<256x256xf32>
    %add3A_654 = arith.addf %dot_general3A_652, %add3A_653 : vector<256x256xf32>
    %swap3A_655 = arith.constant 0 : index
    %swap3A_656 = arith.constant 1536 : index
    %swap3A_657 = vector.load %arg5[%swap3A_655, %swap3A_656] : memref<256x2048xf32, #tpu.memory_space<vmem>>, vector<256x256xf32>
    tpu.vector_store %arg5[%swap3A_655, %swap3A_656], %add3A_654 {strides = array<i32>} : memref<256x2048xf32, #tpu.memory_space<vmem>>, vector<256x256xf32>,
    %get3A_658 = arith.constant 0 : index
    %get3A_659 = arith.constant 0 : index
    %get3A_660 = vector.load %arg6[%get3A_658, %get3A_659] : memref<256x2048xbf16, #tpu.memory_space<vmem>>, vector<256x256xbf16>
    %get3A_661 = arith.constant 7 : index
    %get3A_662 = arith.constant 0 : index
    %get3A_663 = memref.load %arg1[%get3A_661, %get3A_662] : memref<8x8xf32, #tpu.memory_space<smem>>
    %convert_element_type3A_664 = arith.truncf %get3A_663 : f32 to bf16
    %mul3A_665 = vector.broadcast %convert_element_type3A_664 : bf16 to vector<256x256xbf16>
    %mul3A_666 = arith.mulf %get3A_660, %mul3A_665 : vector<256x256xbf16>
    %get3A_667 = arith.constant 0 : index
    %get3A_668 = arith.constant 256 : index
    %get3A_669 = vector.load %arg6[%get3A_667, %get3A_668] : memref<256x2048xbf16, #tpu.memory_space<vmem>>, vector<256x256xbf16>
    %get3A_670 = arith.constant 7 : index
    %get3A_671 = arith.constant 1 : index
    %get3A_672 = memref.load %arg1[%get3A_670, %get3A_671] : memref<8x8xf32, #tpu.memory_space<smem>>
    %convert_element_type3A_673 = arith.truncf %get3A_672 : f32 to bf16
    %mul3A_674 = vector.broadcast %convert_element_type3A_673 : bf16 to vector<256x256xbf16>
    %mul3A_675 = arith.mulf %get3A_669, %mul3A_674 : vector<256x256xbf16>
    %add3A_676 = arith.addf %mul3A_666, %mul3A_675 : vector<256x256xbf16>
    %get3A_677 = arith.constant 0 : index
    %get3A_678 = arith.constant 512 : index
    %get3A_679 = vector.load %arg6[%get3A_677, %get3A_678] : memref<256x2048xbf16, #tpu.memory_space<vmem>>, vector<256x256xbf16>
    %get3A_680 = arith.constant 7 : index
    %get3A_681 = arith.constant 2 : index
    %get3A_682 = memref.load %arg1[%get3A_680, %get3A_681] : memref<8x8xf32, #tpu.memory_space<smem>>
    %convert_element_type3A_683 = arith.truncf %get3A_682 : f32 to bf16
    %mul3A_684 = vector.broadcast %convert_element_type3A_683 : bf16 to vector<256x256xbf16>
    %mul3A_685 = arith.mulf %get3A_679, %mul3A_684 : vector<256x256xbf16>
    %add3A_686 = arith.addf %add3A_676, %mul3A_685 : vector<256x256xbf16>
    %get3A_687 = arith.constant 0 : index
    %get3A_688 = arith.constant 768 : index
    %get3A_689 = vector.load %arg6[%get3A_687, %get3A_688] : memref<256x2048xbf16, #tpu.memory_space<vmem>>, vector<256x256xbf16>
    %get3A_690 = arith.constant 7 : index
    %get3A_691 = arith.constant 3 : index
    %get3A_692 = memref.load %arg1[%get3A_690, %get3A_691] : memref<8x8xf32, #tpu.memory_space<smem>>
    %convert_element_type3A_693 = arith.truncf %get3A_692 : f32 to bf16
    %mul3A_694 = vector.broadcast %convert_element_type3A_693 : bf16 to vector<256x256xbf16>
    %mul3A_695 = arith.mulf %get3A_689, %mul3A_694 : vector<256x256xbf16>
    %add3A_696 = arith.addf %add3A_686, %mul3A_695 : vector<256x256xbf16>
    %get3A_697 = arith.constant 0 : index
    %get3A_698 = arith.constant 1024 : index
    %get3A_699 = vector.load %arg6[%get3A_697, %get3A_698] : memref<256x2048xbf16, #tpu.memory_space<vmem>>, vector<256x256xbf16>
    %get3A_700 = arith.constant 7 : index
    %get3A_701 = arith.constant 4 : index
    %get3A_702 = memref.load %arg1[%get3A_700, %get3A_701] : memref<8x8xf32, #tpu.memory_space<smem>>
    %convert_element_type3A_703 = arith.truncf %get3A_702 : f32 to bf16
    %mul3A_704 = vector.broadcast %convert_element_type3A_703 : bf16 to vector<256x256xbf16>
    %mul3A_705 = arith.mulf %get3A_699, %mul3A_704 : vector<256x256xbf16>
    %add3A_706 = arith.addf %add3A_696, %mul3A_705 : vector<256x256xbf16>
    %get3A_707 = arith.constant 0 : index
    %get3A_708 = arith.constant 1280 : index
    %get3A_709 = vector.load %arg6[%get3A_707, %get3A_708] : memref<256x2048xbf16, #tpu.memory_space<vmem>>, vector<256x256xbf16>
    %get3A_710 = arith.constant 7 : index
    %get3A_711 = arith.constant 5 : index
    %get3A_712 = memref.load %arg1[%get3A_710, %get3A_711] : memref<8x8xf32, #tpu.memory_space<smem>>
    %convert_element_type3A_713 = arith.truncf %get3A_712 : f32 to bf16
    %mul3A_714 = vector.broadcast %convert_element_type3A_713 : bf16 to vector<256x256xbf16>
    %mul3A_715 = arith.mulf %get3A_709, %mul3A_714 : vector<256x256xbf16>
    %add3A_716 = arith.addf %add3A_706, %mul3A_715 : vector<256x256xbf16>
    %get3A_717 = arith.constant 0 : index
    %get3A_718 = arith.constant 1536 : index
    %get3A_719 = vector.load %arg6[%get3A_717, %get3A_718] : memref<256x2048xbf16, #tpu.memory_space<vmem>>, vector<256x256xbf16>
    %get3A_720 = arith.constant 7 : index
    %get3A_721 = arith.constant 6 : index
    %get3A_722 = memref.load %arg1[%get3A_720, %get3A_721] : memref<8x8xf32, #tpu.memory_space<smem>>
    %convert_element_type3A_723 = arith.truncf %get3A_722 : f32 to bf16
    %mul3A_724 = vector.broadcast %convert_element_type3A_723 : bf16 to vector<256x256xbf16>
    %mul3A_725 = arith.mulf %get3A_719, %mul3A_724 : vector<256x256xbf16>
    %add3A_726 = arith.addf %add3A_716, %mul3A_725 : vector<256x256xbf16>
    %get3A_727 = arith.constant 0 : index
    %get3A_728 = arith.constant 1792 : index
    %get3A_729 = vector.load %arg6[%get3A_727, %get3A_728] : memref<256x2048xbf16, #tpu.memory_space<vmem>>, vector<256x256xbf16>
    %get3A_730 = arith.constant 7 : index
    %get3A_731 = arith.constant 7 : index
    %get3A_732 = memref.load %arg1[%get3A_730, %get3A_731] : memref<8x8xf32, #tpu.memory_space<smem>>
    %convert_element_type3A_733 = arith.truncf %get3A_732 : f32 to bf16
    %mul3A_734 = vector.broadcast %convert_element_type3A_733 : bf16 to vector<256x256xbf16>
    %mul3A_735 = arith.mulf %get3A_729, %mul3A_734 : vector<256x256xbf16>
    %add3A_736 = arith.addf %add3A_726, %mul3A_735 : vector<256x256xbf16>
    %dot_general3A_737 = arith.constant dense<0.000000e+00> : vector<256x256xf32>
    %dot_general3A_738 = tpu.matmul %add3A_736, %get3A_55, %dot_general3A_737 {dimension_numbers = #tpu.dot_dimension_numbers<[1], [0], [0], [1], [0, 0, 1, 1], [], []>, transpose_lhs_hint = false} : vector<256x256xbf16>, vector<256x256xbf16>, vector<256x256xf32> -> vector<256x256xf32>
    %add3A_739 = vector.broadcast %get3A_58 : vector<1x256xf32> to vector<256x256xf32>
    %add3A_740 = arith.addf %dot_general3A_738, %add3A_739 : vector<256x256xf32>
    %swap3A_741 = arith.constant 0 : index
    %swap3A_742 = arith.constant 1792 : index
    %swap3A_743 = vector.load %arg5[%swap3A_741, %swap3A_742] : memref<256x2048xf32, #tpu.memory_space<vmem>>, vector<256x256xf32>
    tpu.vector_store %arg5[%swap3A_741, %swap3A_742], %add3A_740 {strides = array<i32>} : memref<256x2048xf32, #tpu.memory_space<vmem>>, vector<256x256xf32>,
    return
  }
  func.func @transform_0(%arg0: i32) -> (i32, i32) {
    %c0_i32 = arith.constant 0 : i32
    %c0_i32_0 = arith.constant 0 : i32
    %c0_i32_1 = arith.constant 0 : i32
    return %c0_i32, %c0_i32_0 : i32, i32
  }
  func.func @transform_1(%arg0: i32) -> (i32, i32) {
    %c0_i32 = arith.constant 0 : i32
    %c0_i32_0 = arith.constant 0 : i32
    return %arg0, %c0_i32 : i32, i32
  }
  func.func @transform_2(%arg0: i32) -> (i32, i32) {
    %c0_i32 = arith.constant 0 : i32
    %c0_i32_0 = arith.constant 0 : i32
    %c0_i32_1 = arith.constant 0 : i32
    return %c0_i32, %c0_i32_0 : i32, i32
  }
  func.func @transform_3(%arg0: i32) -> (i32, i32) {
    %c0_i32 = arith.constant 0 : i32
    %c0_i32_0 = arith.constant 0 : i32
    %c0_i32_1 = arith.constant 0 : i32
    return %c0_i32, %c0_i32_0 : i32, i32
  }
  func.func @transform_4(%arg0: i32) -> (i32, i32) {
    %c0_i32 = arith.constant 0 : i32
    %c0_i32_0 = arith.constant 0 : i32
    return %arg0, %c0_i32 : i32, i32
  }
}

</mosaic_0001>

<sc_bundles>
// kernel: sparse-core-data-format-call.1.cloned.1.call-start
scs
called_computation.1_lowered:
.L_overlay_start_0:
0x0: {  	s2 =	sld [smem:$0x3FD9]  }
0x1: {  	s3 =	sld [smem:$0x3FFE];
	_ =	sdelay $0x1  }
0x2: {  	s1 =	srdreg.scid  }
0x3: {  	s0 =	sand.u32 $0x1, s1  }
0x4: {  	s19 =	sshll.u32 s0, $0xA;
	s2 =	sadd.s32 s3, s2  }
0x5: {  	s2 =	sadd.s32 s2, s19  }
0x6: {  	[smem:$0x3FC4] =	sst s2  }
0x7: {  	_ = 	snop  }
0x8: {  	s2 =	sld [smem:$0x3FC9]  }
0x9: {  	s20 =	sld [smem:$0x3FD0];
	(tm) =	ssettm $0x1  }
0xa: {  	s4 =	sld [smem:$0x3FFB];
	_ =	sdelay $0x3  }
0xb: {  	_ =	strace s4  }
0xc: {  	s4 =	sld [smem:$0x3FFC];
	_ =	sdelay $0x3  }
0xd: {  	_ =	strace s4  }
0xe: {  	s4 =	sld [smem:$0x3FFD];
	_ =	sdelay $0x3  }
0xf: {  	_ =	strace s4  }
0x10: {  	_ =	strace $0x8FFFFFFF  }
0x11: {  	s21 =	sld [smem:$0x3FDB];
	_ =	sdelay $0x1  }
0x12: {  	s5 =	simm.s32 $_scs_section_size  }
0x13: {  	s6 =	simm.s32 $_size__tile_overlayer_lowered;
	s7 =	simm.s32 $_tile_overlayer_lowered  }
0x14: {  	s24 =	simm.s32 $0x1BFF;
	s23 =	sshll.u32 s7, $0x1;
	s4 =	sadd.s32 s5, s21  }
0x15: {  	s8 =	simm.s32 $0x0;
	s22 =	sshll.u32 s6, $0x1;
	s6 =	sadd.s32 s23, s4  }
0x16: {  	[timem:s8], [sflag:s24] =	dma.local [hbm:s6], s22  }
0x17: {  	_ =	swait.ge [sflag:s24], s22  }
0x18: {  	s5 =	ssub.s32 $0x0, s22;
	[sflag:s24] =	ssyncset.done $0x0  }
0x19: {  	[sflag:s24] =	ssyncadd.s32 s5;
	_ =	sdelay $0x1  }
0x1a: {  	s25 =	simm.s32 $0x1B8B  }
0x1b: {  	_ =	swait.ge [sflag:s25], $0x1  }
0x1c: {  	[sflag:s25] =	ssyncset.done $0x0  }
0x1d: {  	s26 =	simm.s32 $0x1B8E;
	[sflag:s25] =	ssyncadd.s32 $0xFFFFFFFF  }
0x1e: {  	s27 =	simm.s32 $execute0_lowered;
	[smem:$0x3FD2] =	sst s26  }
0x1f: {  	s5 =	sshll.u32 s27, $0x1;
	_ =	strace $0x80000046;
	[dreg:$0x1] =	wrdreg $0xFFFFFFFF  }
0x20: {  	s28 =	simm.s32 $_size_execute0_lowered;
	s4 =	sadd.s32 s4, s5;
	[dreg:$0x0] =	wrdreg $0x0  }
0x21: {  	s5 =	sshll.u32 s28, $0x1;
	[dreg:$0x2] =	wrdreg s4  }
0x22: {  	[dreg:$0x3] =	wrdreg s5  }
0x23: {  	[dreg:$0x4] =	wrdreg $0xC0  }
0x24: {  	_ =	task [dreg:s8], $0x5FFFF  }
0x25: {  	[dreg:$0x1] =	wrdreg $0xFFFFFFFF  }
0x26: {  	[dreg:$0x0] =	wrdreg $0x60  }
0x27: {  	[dreg:$0x2] =	wrdreg s2  }
0x28: {  	[dreg:$0x3] =	wrdreg s20  }
0x29: {  	[dreg:$0x4] =	wrdreg $0x9  }
0x2a: {  	_ =	task.clear_ibuf [dreg:s8], $0x5FFFF;
	_ =	strace $0x90000046  }
0x2b: {  	s29 =	simm.s32 $0x9;
	_ =	strace $0x80000048  }
0x2c: {  	_ =	swait.ge [sflag:s29], $0x1  }
0x2d: {  	[sflag:s29] =	ssyncadd.s32 $0xFFFFFFFF  }
0x2e: {  	_ =	strace $0x90000048  }
0x2f: {  	_ =	sfence  }
0x30: {  	s30 =	sld [smem:$0x0];
	_ =	sdelay $0x2  }
0x31: {  	s31 =	sshll.u32 s1, $0xD;
	s1 =	sshrl.u32 s1, $0x2  }
0x32: {  	s3 =	sand.u32 $0x4000, s31;
	s1 =	sadd.s32 s1, s30  }
0x33: {  	s0 =	sor.u32 s3, s0;
	s1 =	sshll.u32 s1, $0x11  }
0x34: {  	s0 =	sor.u32 s1, s0  }
0x35: {  	s0 =	sadd.s32 $0x8F2B, s0  }
0x36: {  	[sflag:s0] =	ssyncadd.remote.s32 $0x1  }
0x37: {  	_ =	sfence.sel $0xFFFF  }
0x38: {  	[dreg:$0x0] =	wrdreg $0xFFFFFFFF;
	(pc) =	sbr.abs _section_cstart, $3  }
0x39: {  	[dreg:$0x1] =	wrdreg $0xFFFFFFFF  }
0x3a: {  	_ =	task.clear_ibuf [dreg:s8], $0x2FFFF;
	_ =	strace $0x9FFFFFFF  }
0x3b: {  	(tm) =	ssettm $0x7FFFFFFF  }
tec
execute0_lowered:
.L_overlay_start_1:
0x0: {  	(tag) =	ssettag $0x1  }
0x1: {  	s2 =	rddreg [dreg:$0x0]  }
0x2: {  	s3 =	rddreg [dreg:$0x1]  }
0x3: {  	s0 =	rddreg [dreg:$0x2];
	_ =	strace $0x80000047;
	s4 =	srdreg.scid  }
.Ltmp0:
0x4: {  	s1 =	stileid.u32;
	s6 =	simm.s32 $0x2;
	(pc) =	sbr.rel .LBB1_1-.Ltmp0, $4  }
0x5: {  	p0 =	por $0x0, $0x0;
	s9 =	simm.s32 $0x0;
	s5 =	sshll.u32 s4, $0x4  }
0x6: {  	s7 =	simm.s32 $0x0;
	s4 =	simm.s32 $0x1;
	s5 =	sand.u32 $0x10, s5  }
0x7: {  	s15 =	simm.s32 $0x0;
	[sflag:s4] =	ssyncpa.u1 $0x0;
	s5 =	sor.u32 s1, s5  }
0x8: {  	[sflag:s6] =	ssyncpa.u1 $0x0;
	s6 =	simm.s32 $0x0;
	s8 =	smov.u32 s5  }
.LBB1_7:
0x9: {  	s11 =	sadd.s32 $0x20, s8  }
0xa: {  	p1 =	slt.u32 s7, $0x2;
	s7 =	sadd.s32 $0x1, s7;
	p2 =	sgt.s32 s11, $0x1FF  }
0xb: {  	s11 =	smov.u32 @p2 s5;
	p2 =	sne.s32 s7, $0x12  }
.Ltmp1:
0xc: {  	_ = 	snop;
	(pc) =	sbr.rel @!p2 .LBB1_8-.Ltmp1, $4  }
0xd: {  	s10 =	simm.s32 @!p1 $0x2  }
0xe: {  	_ =	swait.ge @!p1 [sflag:s10], $0x4000  }
0xf: {  	s9 =	smov.u32 s8;
	[sflag:s10] =	ssyncset.done @!p1 $0x0  }
0x10: {  	p0 =	por !p0, !p0;
	s8 =	smov.u32 s11;
	[sflag:s10] =	ssyncadd.s32 @!p1 $0xFFFFC000  }
.LBB1_1:
0x11: {  	p1 =	sgt.u32 s7, $0xF  }
0x12: {  	s10 =	sxor.u32 @!p1 $0xFFFFFFFF, s7  }
0x13: {  	s11 =	sshll.u32 @!p1 s8, $0xB;
	s10 =	sshll.u32 @!p1 s10, $0xE  }
0x14: {  	s12 =	simm.s32 @!p1 $0x0;
	s11 =	sadd.s32 @!p1 s2, s11;
	s10 =	sand.u32 @!p1 $0x4000, s10  }
0x15: {  	[tilespmem:s10], [sflag:$0x1] =	stream.linear.gather @!p1 [hbm4b:s11+s12], $0x4000, $0x38;
	[tilespmem:$0x10000] =	vst v63  }
0x16: {  	p1 =	seq.s32 s7, $0x0  }
0x17: {  	p2 =	seq.s32 @!p1 s7, $0x11  }
0x18: {  	p1 =	por p1, p2  }
.Ltmp2:
0x19: {  	_ = 	snop;
	(pc) =	sbr.rel @p1 .LBB1_7-.Ltmp2, $1  }
0x1a: {  	_ =	sdelay $0x3  }
0x1b: {  	s10 =	simm.s32 $0x1  }
0x1c: {  	_ =	swait.ge [sflag:s4], $0x4000;
	s11 =	sshll.u32 s7, $0xE;
	p1 =	por $0x0, $0x0  }
0x1d: {  	s16 =	simm.s32 $0x0;
	s17 =	simm.s32 $0x0;
	s10 =	simm.s32 @!p0 $0x0  }
0x1e: {  	[sflag:s4] =	ssyncset.done $0x0;
	s13 =	sand.u32 $0x4000, s11;
	s10 =	sshll.u32 s10, $0x10  }
0x1f: {  	[sflag:s4] =	ssyncadd.s32 $0xFFFFC000;
	s11 =	sor.u32 $0x8000, s13;
	s14 =	sshrl.u32 s10, $0x2  }
0x20: {  	s10 =	sor.u32 $0x40, s14;
	s12 =	sor.u32 $0x8410, s14;
	s14 =	sadd.s32 $0x8400, s14  }
.LBB1_3:
0x21: {  	v1 =	vld [tilespmem:s10+$0xFFFFFFD0]  }
0x22: {  	v2 =	vld [tilespmem:s10+$0x430]  }
0x23: {  	s18 =	sshll.u32 s17, $0xB;
	v4 =	vld [tilespmem:s10+$0xFFFFFFE0]  }
0x24: {  	v7 =	vld [tilespmem:s10+$0xFFFFFFF0];
	v0 =	vmov s18  }
0x25: {  	v8 =	vld [tilespmem:s10+$0x0]  }
0x26: {  	s30 =	sand.u32 $0x300, s15;
	v9 =	vld [tilespmem:s10+$0x10]  }
0x27: {  	s19 =	sand.u32 $0x80, s15;
	v10 =	vld [tilespmem:s10+$0x20];
	s18 =	sadd.s32 s30, s13  }
0x28: {  	v11 =	vld [tilespmem:s10+$0x30];
	s18 =	sadd.s32 s19, s18;
	s19 =	simm.s32 $0x1;
	[tilespmem:s12+$0x60] =	vst v2  }
0x29: {  	s31 =	sshll.u32 s16, $0x2;
	s19 =	simm.s32 @!p1 $0x0;
	[tilespmem:s12+$0xFFFFFC00] =	vst v1;
	v3 =	vld.idx.msk [tilespmem:v0+s18+$0x400 ss:$0x1], $0xffff  }
0x2a: {  	v6 =	vld [tilespmem:s10+$0x3D0];
	s19 =	sshll.u32 s19, $0x9;
	[tilespmem:s12+$0xFFFFFC10] =	vst v4;
	s18 =	sand.u32 $0xFFFFFC00, s31  }
0x2b: {  	v5 =	vld [tilespmem:s10+$0x3E0];
	[tilespmem:s12+$0xFFFFFC20] =	vst v7;
	s18 =	sor.u32 s19, s18  }
0x2c: {  	[tilespmem:s12+$0xFFFFFC30] =	vst v8;
	v4 =	vld [tilespmem:s10+$0x400];
	s18 =	sshrl.u32 s18, $0x2  }
0x2d: {  	[tilespmem:s12+$0xFFFFFC40] =	vst v9;
	v1 =	vld [tilespmem:s10+$0x410];
	s18 =	sadd.s32 s18, s14  }
0x2e: {  	[tilespmem:s18+$0x0] =	vst v3;
	v3 =	vld [tilespmem:s10+$0x3F0]  }
0x2f: {  	s22 =	simm.s32 $0x80;
	s21 =	simm.s32 $0x100;
	[tilespmem:s12+$0xFFFFFC50] =	vst v10;
	v2 =	vld [tilespmem:s10+$0x420]  }
0x30: {  	s20 =	smov.u32 s12;
	s23 =	sand.u32 $0x300, s22;
	v7 =	vld [tilespmem:s10+$0xFFFFFFC0];
	[tilespmem:s12+$0xFFFFFC60] =	vst v11;
	s19 =	sadd.s32 $0x80, s10  }
.LBB1_4:
0x31: {  	p2 =	sne.s32 s21, $0x380;
	v8 =	vld [tilespmem:s19+$0xFFFFFFD0];
	s22 =	sand.u32 $0x80, s22;
	s23 =	sadd.s32 s23, s13;
	[tilespmem:s20+$0x0] =	vst v6  }
0x32: {  	s23 =	sadd.s32 s22, s23;
	v6 =	vld [tilespmem:s19+$0x430];
	[tilespmem:s20+$0x10] =	vst v5;
	s22 =	smov.u32 s21  }
0x33: {  	v5 =	vld.idx.msk [tilespmem:v0+s23+$0x400 ss:$0x1], $0xffff;
	[tilespmem:s20+$0x20] =	vst v3  }
0x34: {  	v3 =	vld [tilespmem:s19+$0xFFFFFFE0];
	[tilespmem:s20+$0x30] =	vst v4  }
0x35: {  	v4 =	vld [tilespmem:s19+$0xFFFFFFF0];
	[tilespmem:s20+$0xFFFFFBF0] =	vst v7  }
0x36: {  	v7 =	vld [tilespmem:s19+$0x0];
	[tilespmem:s20+$0x40] =	vst v1  }
0x37: {  	v1 =	vld [tilespmem:s19+$0x10];
	[tilespmem:s20+$0x50] =	vst v2;
	s20 =	sadd.s32 $0x800, s20  }
0x38: {  	s18 =	sadd.s32 $0x800, s18;
	v2 =	vld [tilespmem:s19+$0x20];
	[tilespmem:s20+$0x60] =	vst v6  }
0x39: {  	v9 =	vld [tilespmem:s19+$0x30];
	[tilespmem:s18+$0x0] =	vst v5  }
0x3a: {  	[tilespmem:s20+$0xFFFFFC00] =	vst v8;
	v6 =	vld [tilespmem:s19+$0x3D0]  }
0x3b: {  	[tilespmem:s20+$0xFFFFFC10] =	vst v3;
	v5 =	vld [tilespmem:s19+$0x3E0]  }
.Ltmp3:
0x3c: {  	[tilespmem:s20+$0xFFFFFC20] =	vst v4;
	v3 =	vld [tilespmem:s19+$0x3F0];
	(pc) =	sbr.rel @p2 .LBB1_4-.Ltmp3, $4  }
0x3d: {  	[tilespmem:s20+$0xFFFFFC30] =	vst v7;
	v4 =	vld [tilespmem:s19+$0x400]  }
0x3e: {  	[tilespmem:s20+$0xFFFFFC40] =	vst v1;
	v1 =	vld [tilespmem:s19+$0x410]  }
0x3f: {  	[tilespmem:s20+$0xFFFFFC50] =	vst v2;
	v2 =	vld [tilespmem:s19+$0x420]  }
0x40: {  	s21 =	sadd.s32 $0x80, s21;
	s23 =	sand.u32 $0x300, s22;
	v7 =	vld [tilespmem:s19+$0xFFFFFFC0];
	[tilespmem:s20+$0xFFFFFC60] =	vst v9;
	s19 =	sadd.s32 $0x80, s19  }
0x41: {  	[tilespmem:s20+$0x0] =	vst v6  }
0x42: {  	[tilespmem:s20+$0x10] =	vst v5  }
0x43: {  	v49 =	vld [tilespmem:s19+$0x430];
	[tilespmem:s20+$0x20] =	vst v3  }
0x44: {  	v50 =	vld [tilespmem:s19+$0xFFFFFFD0];
	[tilespmem:s20+$0x30] =	vst v4  }
0x45: {  	v51 =	vld [tilespmem:s19+$0xFFFFFFE0];
	[tilespmem:s20+$0x40] =	vst v1  }
0x46: {  	v52 =	vld [tilespmem:s19+$0xFFFFFFF0];
	[tilespmem:s20+$0x50] =	vst v2  }
0x47: {  	s31 =	sadd.s32 $0x800, s20;
	v53 =	vld [tilespmem:s19+$0x0];
	[tilespmem:s20+$0xFFFFFBF0] =	vst v7  }
0x48: {  	v54 =	vld [tilespmem:s19+$0x10];
	[tilespmem:s31+$0x60] =	vst v49  }
0x49: {  	v55 =	vld [tilespmem:s19+$0x20];
	[tilespmem:s31+$0xFFFFFC00] =	vst v50  }
0x4a: {  	v56 =	vld [tilespmem:s19+$0x30];
	[tilespmem:s31+$0xFFFFFC10] =	vst v51  }
0x4b: {  	v57 =	vld [tilespmem:s19+$0x3D0];
	[tilespmem:s31+$0xFFFFFC20] =	vst v52  }
0x4c: {  	v58 =	vld [tilespmem:s19+$0x3E0];
	[tilespmem:s31+$0xFFFFFC30] =	vst v53  }
0x4d: {  	v59 =	vld [tilespmem:s19+$0x3F0];
	[tilespmem:s31+$0xFFFFFC40] =	vst v54  }
0x4e: {  	v60 =	vld [tilespmem:s19+$0x400];
	[tilespmem:s31+$0xFFFFFC50] =	vst v55  }
0x4f: {  	v61 =	vld [tilespmem:s19+$0xFFFFFFC0];
	[tilespmem:s31+$0xFFFFFC60] =	vst v56  }
0x50: {  	s21 =	sand.u32 $0x80, s22;
	s30 =	sadd.s32 s23, s13;
	v62 =	vld [tilespmem:s19+$0x410];
	[tilespmem:s31+$0x0] =	vst v57  }
0x51: {  	v63 =	vld [tilespmem:s19+$0x420];
	s17 =	sadd.s32 $0x1, s17;
	s21 =	sadd.s32 s21, s30;
	[tilespmem:s31+$0x10] =	vst v58  }
0x52: {  	p2 =	sne.s32 s17, $0x8;
	v0 =	vld.idx.msk [tilespmem:v0+s21+$0x400 ss:$0x1], $0xffff;
	[tilespmem:s31+$0x20] =	vst v59  }
.Ltmp4:
0x53: {  	[tilespmem:s31+$0x30] =	vst v60;
	(pc) =	sbr.rel @p2 .LBB1_3-.Ltmp4, $4  }
0x54: {  	[tilespmem:s31+$0xFFFFFBF0] =	vst v61  }
0x55: {  	[tilespmem:s31+$0x40] =	vst v62  }
0x56: {  	s18 =	sadd.s32 $0x800, s18;
	s10 =	sadd.s32 $0x800, s10;
	[tilespmem:s31+$0x50] =	vst v63  }
0x57: {  	s16 =	sadd.s32 $0x80, s16;
	p1 =	por !p1, !p1;
	s12 =	sadd.s32 $0x80, s12;
	[tilespmem:s18+$0x0] =	vst v0  }
.Ltmp5:
0x58: {  	(pc) =	sbr.rel .LBB1_7-.Ltmp5, $4  }
0x59: {  	_ = 	snop  }
0x5a: {  	s9 =	sshll.u32 s9, $0xB  }
0x5b: {  	s9 =	sadd.s32 s3, s9  }
0x5c: {  	[hbm4b:s9+s6] =	stream.linear.scatter [tilespmem:s11], [sflag:$0x2], $0x4000, $0x38;
	[tilespmem:$0x10000] =	vst v63  }
.LBB1_8:
0x5d: {  	_ =	sfence.sel $0x180000  }
0x5e: {  	s2 =	simm.s32 $0x1;
	[bflag:$0x0] =	sbarrier.arrive $0xFFFF  }
0x5f: {  	s31 =	simm.s32 $0x2;
	[sflag:s2] =	ssyncpa.u1 $0x1  }
0x60: {  	[sflag:s31] =	ssyncpa.u1 $0x1  }
0x61: {  	p0 =	sne.s32 s1, $0x0;
	_ =	strace $0x90000047  }
0x62: {  	s0 =	sadd.s32 @!p0 $0x100000, s0;
	[bflag:$0x2] =	sbarrier.arrive $0xFFFF  }
0x63: {  	[sflag:s0] =	ssyncadd.tile.s32 @!p0 $0x1;
	_ =	shalt  }
.Lfunc_end1:
_tile_overlayer_lowered:
.L_overlay_start_2:
0x64: {  	(tag) =	ssettag $0x2  }
0x65: {  	s0 =	rddreg [dreg:$0x0];
	s2 =	stileid.u32  }
0x66: {  	s1 =	rddreg [dreg:$0x1];
	p0 =	sne.s32 s2, $0x0  }
0x67: {  	s3 =	rddreg [dreg:$0x2];
	[bflag:$0x3] =	sbarrier.arrive $0xFFFF;
	s2 =	simm.s32 @!p0 $0x1C01  }
0x68: {  	[timem:s3], [sflag:s2] =	dma.local @!p0 [hbm:s0], s1  }
0x69: {  	s0 =	simm.s32 @!p0 $0x1  }
0x6a: {  	_ =	swait.ge @!p0 [sflag:s0], s1  }
0x6b: {  	s1 =	ssub.s32 @!p0 $0x0, s1;
	[sflag:s0] =	ssyncset.done @!p0 $0x0  }
0x6c: {  	[sflag:s0] =	ssyncadd.s32 @!p0 s1  }
0x6d: {  	[bflag:$0x3] =	sbarrier.arrive $0xFFFF  }
0x6e: {  	_ =	shalt  }

// kernel: sparse-core-data-format-call.cloned.1.call-start
scs
called_computation_lowered:
.L_overlay_start_0:
0x0: {  	s2 =	sld [smem:$0x3FD9]  }
0x1: {  	s3 =	sld [smem:$0x3FFE];
	_ =	sdelay $0x1  }
0x2: {  	s1 =	srdreg.scid  }
0x3: {  	s0 =	sand.u32 $0x1, s1  }
0x4: {  	s18 =	sshll.u32 s0, $0xA;
	s2 =	sadd.s32 s3, s2  }
0x5: {  	s2 =	sadd.s32 s2, s18  }
0x6: {  	[smem:$0x3FC4] =	sst s2  }
0x7: {  	_ = 	snop  }
0x8: {  	s2 =	sld [smem:$0x3FD0];
	(tm) =	ssettm $0x1  }
0x9: {  	s19 =	sld [smem:$0x3FFB];
	_ =	sdelay $0x3  }
0xa: {  	_ =	strace s19  }
0xb: {  	s3 =	sld [smem:$0x3FFC];
	_ =	sdelay $0x3  }
0xc: {  	_ =	strace s3  }
0xd: {  	s3 =	sld [smem:$0x3FFD];
	_ =	sdelay $0x3  }
0xe: {  	_ =	strace s3  }
0xf: {  	_ =	strace $0x8FFFFFFF  }
0x10: {  	s20 =	sld [smem:$0x3FDB];
	_ =	sdelay $0x1  }
0x11: {  	s4 =	simm.s32 $_scs_section_size  }
0x12: {  	s5 =	simm.s32 $_size__tile_overlayer_lowered;
	s6 =	simm.s32 $_tile_overlayer_lowered  }
0x13: {  	s23 =	simm.s32 $0x1BFF;
	s22 =	sshll.u32 s6, $0x1;
	s3 =	sadd.s32 s4, s20  }
0x14: {  	s7 =	simm.s32 $0x0;
	s21 =	sshll.u32 s5, $0x1;
	s5 =	sadd.s32 s22, s3  }
0x15: {  	[timem:s7], [sflag:s23] =	dma.local [hbm:s5], s21  }
0x16: {  	_ =	swait.ge [sflag:s23], s21  }
0x17: {  	s4 =	ssub.s32 $0x0, s21;
	[sflag:s23] =	ssyncset.done $0x0  }
0x18: {  	[sflag:s23] =	ssyncadd.s32 s4;
	_ =	sdelay $0x1  }
0x19: {  	s24 =	simm.s32 $0x1B8B  }
0x1a: {  	_ =	swait.ge [sflag:s24], $0x1  }
0x1b: {  	[sflag:s24] =	ssyncset.done $0x0  }
0x1c: {  	s26 =	simm.s32 $0x1B8E;
	s25 =	sld [smem:$0x3FFE];
	[sflag:s24] =	ssyncadd.s32 $0xFFFFFFFF  }
0x1d: {  	s27 =	simm.s32 $execute0_lowered;
	[smem:$0x3FD2] =	sst s26  }
0x1e: {  	s5 =	sshll.u32 s27, $0x1;
	_ =	strace $0x80000049;
	[dreg:$0x1] =	wrdreg $0xFFFFFFFF  }
0x1f: {  	s28 =	simm.s32 $_size_execute0_lowered;
	s3 =	sadd.s32 s3, s5;
	[dreg:$0x0] =	wrdreg $0x0  }
0x20: {  	s5 =	sshll.u32 s28, $0x1;
	[dreg:$0x2] =	wrdreg s3  }
0x21: {  	[dreg:$0x3] =	wrdreg s5  }
0x22: {  	[dreg:$0x4] =	wrdreg $0xC0  }
0x23: {  	_ =	task [dreg:s7], $0x5FFFF  }
0x24: {  	[dreg:$0x1] =	wrdreg $0xFFFFFFFF  }
0x25: {  	[dreg:$0x0] =	wrdreg $0x60  }
0x26: {  	[dreg:$0x2] =	wrdreg s25  }
0x27: {  	[dreg:$0x3] =	wrdreg s2  }
0x28: {  	[dreg:$0x4] =	wrdreg $0x9  }
0x29: {  	_ =	task.clear_ibuf [dreg:s7], $0x5FFFF;
	_ =	strace $0x90000049  }
0x2a: {  	s29 =	simm.s32 $0x9;
	_ =	strace $0x8000004B  }
0x2b: {  	_ =	swait.ge [sflag:s29], $0x1  }
0x2c: {  	[sflag:s29] =	ssyncadd.s32 $0xFFFFFFFF  }
0x2d: {  	_ =	strace $0x9000004B  }
0x2e: {  	_ =	sfence  }
0x2f: {  	s30 =	sld [smem:$0x0];
	_ =	sdelay $0x2  }
0x30: {  	s31 =	sshll.u32 s1, $0xD;
	s1 =	sshrl.u32 s1, $0x2  }
0x31: {  	s3 =	sand.u32 $0x4000, s31;
	s1 =	sadd.s32 s1, s30  }
0x32: {  	s0 =	sor.u32 s3, s0;
	s1 =	sshll.u32 s1, $0x11  }
0x33: {  	s0 =	sor.u32 s1, s0  }
0x34: {  	s0 =	sadd.s32 $0x8F2B, s0  }
0x35: {  	[sflag:s0] =	ssyncadd.remote.s32 $0x1  }
0x36: {  	_ =	sfence.sel $0xFFFF  }
0x37: {  	[dreg:$0x0] =	wrdreg $0xFFFFFFFF;
	(pc) =	sbr.abs _section_cstart, $3  }
0x38: {  	[dreg:$0x1] =	wrdreg $0xFFFFFFFF  }
0x39: {  	_ =	task.clear_ibuf [dreg:s7], $0x2FFFF;
	_ =	strace $0x9FFFFFFF  }
0x3a: {  	(tm) =	ssettm $0x7FFFFFFF  }
0x3b: {  	_ =	shalt  }
tec
execute0_lowered:
.L_overlay_start_1:
0x0: {  	(tag) =	ssettag $0x1  }
0x1: {  	s1 =	rddreg [dreg:$0x0]  }
0x2: {  	s2 =	rddreg [dreg:$0x1]  }
0x3: {  	s0 =	rddreg [dreg:$0x2]  }
0x4: {  	_ =	strace $0x8000004A;
	s4 =	srdreg.scid;
	s6 =	simm.s32 $0x2  }
.Ltmp0:
0x5: {  	p0 =	por $0x0, $0x0;
	s9 =	simm.s32 $0x0;
	(pc) =	sbr.rel .LBB1_1-.Ltmp0, $4  }
0x6: {  	s7 =	simm.s32 $0x0;
	s3 =	sadd.s32 $0xE00, s1;
	s5 =	sshll.u32 s4, $0x4  }
0x7: {  	s1 =	stileid.u32;
	s4 =	simm.s32 $0x1;
	s5 =	sand.u32 $0x10, s5  }
0x8: {  	s15 =	simm.s32 $0x0;
	[sflag:s4] =	ssyncpa.u1 $0x0;
	s5 =	sor.u32 s1, s5  }
0x9: {  	[sflag:s6] =	ssyncpa.u1 $0x0;
	s6 =	simm.s32 $0x0;
	s8 =	smov.u32 s5  }
.LBB1_7:
0xa: {  	s11 =	sadd.s32 $0x20, s8  }
0xb: {  	p1 =	slt.u32 s7, $0x2;
	s7 =	sadd.s32 $0x1, s7;
	p2 =	sgt.s32 s11, $0x1FF  }
0xc: {  	s11 =	smov.u32 @p2 s5;
	p2 =	sne.s32 s7, $0x12  }
.Ltmp1:
0xd: {  	_ = 	snop;
	(pc) =	sbr.rel @!p2 .LBB1_8-.Ltmp1, $4  }
0xe: {  	s10 =	simm.s32 @!p1 $0x2  }
0xf: {  	_ =	swait.ge @!p1 [sflag:s10], $0x4000  }
0x10: {  	s9 =	smov.u32 s8;
	[sflag:s10] =	ssyncset.done @!p1 $0x0  }
0x11: {  	p0 =	por !p0, !p0;
	s8 =	smov.u32 s11;
	[sflag:s10] =	ssyncadd.s32 @!p1 $0xFFFFC000  }
.LBB1_1:
0x12: {  	p1 =	sgt.u32 s7, $0xF  }
0x13: {  	s10 =	sxor.u32 @!p1 $0xFFFFFFFF, s7  }
0x14: {  	s11 =	sshll.u32 @!p1 s8, $0xB;
	s10 =	sshll.u32 @!p1 s10, $0xE  }
0x15: {  	s12 =	simm.s32 @!p1 $0x0;
	s11 =	sadd.s32 @!p1 s3, s11;
	s10 =	sand.u32 @!p1 $0x4000, s10  }
0x16: {  	[tilespmem:s10], [sflag:$0x1] =	stream.linear.gather @!p1 [hbm4b:s11+s12], $0x4000, $0x38;
	[tilespmem:$0x10000] =	vst v63  }
0x17: {  	p1 =	seq.s32 s7, $0x0  }
0x18: {  	p2 =	seq.s32 @!p1 s7, $0x11  }
0x19: {  	p1 =	por p1, p2  }
.Ltmp2:
0x1a: {  	_ = 	snop;
	(pc) =	sbr.rel @p1 .LBB1_7-.Ltmp2, $1  }
0x1b: {  	_ =	sdelay $0x3  }
0x1c: {  	s10 =	simm.s32 $0x1  }
0x1d: {  	_ =	swait.ge [sflag:s4], $0x4000;
	s11 =	sshll.u32 s7, $0xE;
	p1 =	por $0x0, $0x0  }
0x1e: {  	s16 =	simm.s32 $0x0;
	s17 =	simm.s32 $0x0;
	s10 =	simm.s32 @!p0 $0x0  }
0x1f: {  	[sflag:s4] =	ssyncset.done $0x0;
	s13 =	sand.u32 $0x4000, s11;
	s10 =	sshll.u32 s10, $0x10  }
0x20: {  	[sflag:s4] =	ssyncadd.s32 $0xFFFFC000;
	s11 =	sor.u32 $0x8000, s13;
	s14 =	sshrl.u32 s10, $0x2  }
0x21: {  	s10 =	sor.u32 $0x40, s14;
	s12 =	sor.u32 $0x8410, s14;
	s14 =	sadd.s32 $0x8400, s14  }
.LBB1_3:
0x22: {  	v1 =	vld [tilespmem:s10+$0xFFFFFFD0]  }
0x23: {  	v2 =	vld [tilespmem:s10+$0x430]  }
0x24: {  	s18 =	sshll.u32 s17, $0xB;
	v4 =	vld [tilespmem:s10+$0xFFFFFFE0]  }
0x25: {  	v7 =	vld [tilespmem:s10+$0xFFFFFFF0];
	v0 =	vmov s18  }
0x26: {  	v8 =	vld [tilespmem:s10+$0x0]  }
0x27: {  	s30 =	sand.u32 $0x300, s15;
	v9 =	vld [tilespmem:s10+$0x10]  }
0x28: {  	s19 =	sand.u32 $0x80, s15;
	v10 =	vld [tilespmem:s10+$0x20];
	s18 =	sadd.s32 s30, s13  }
0x29: {  	v11 =	vld [tilespmem:s10+$0x30];
	s18 =	sadd.s32 s19, s18;
	s19 =	simm.s32 $0x1;
	[tilespmem:s12+$0x60] =	vst v2  }
0x2a: {  	s31 =	sshll.u32 s16, $0x2;
	s19 =	simm.s32 @!p1 $0x0;
	[tilespmem:s12+$0xFFFFFC00] =	vst v1;
	v3 =	vld.idx.msk [tilespmem:v0+s18+$0x400 ss:$0x1], $0xffff  }
0x2b: {  	v6 =	vld [tilespmem:s10+$0x3D0];
	s19 =	sshll.u32 s19, $0x9;
	[tilespmem:s12+$0xFFFFFC10] =	vst v4;
	s18 =	sand.u32 $0xFFFFFC00, s31  }
0x2c: {  	v5 =	vld [tilespmem:s10+$0x3E0];
	[tilespmem:s12+$0xFFFFFC20] =	vst v7;
	s18 =	sor.u32 s19, s18  }
0x2d: {  	[tilespmem:s12+$0xFFFFFC30] =	vst v8;
	v4 =	vld [tilespmem:s10+$0x400];
	s18 =	sshrl.u32 s18, $0x2  }
0x2e: {  	[tilespmem:s12+$0xFFFFFC40] =	vst v9;
	v1 =	vld [tilespmem:s10+$0x410];
	s18 =	sadd.s32 s18, s14  }
0x2f: {  	[tilespmem:s18+$0x0] =	vst v3;
	v3 =	vld [tilespmem:s10+$0x3F0]  }
0x30: {  	s22 =	simm.s32 $0x80;
	s21 =	simm.s32 $0x100;
	[tilespmem:s12+$0xFFFFFC50] =	vst v10;
	v2 =	vld [tilespmem:s10+$0x420]  }
0x31: {  	s20 =	smov.u32 s12;
	s23 =	sand.u32 $0x300, s22;
	v7 =	vld [tilespmem:s10+$0xFFFFFFC0];
	[tilespmem:s12+$0xFFFFFC60] =	vst v11;
	s19 =	sadd.s32 $0x80, s10  }
.LBB1_4:
0x32: {  	p2 =	sne.s32 s21, $0x380;
	v8 =	vld [tilespmem:s19+$0xFFFFFFD0];
	s22 =	sand.u32 $0x80, s22;
	s23 =	sadd.s32 s23, s13;
	[tilespmem:s20+$0x0] =	vst v6  }
0x33: {  	s23 =	sadd.s32 s22, s23;
	v6 =	vld [tilespmem:s19+$0x430];
	[tilespmem:s20+$0x10] =	vst v5;
	s22 =	smov.u32 s21  }
0x34: {  	v5 =	vld.idx.msk [tilespmem:v0+s23+$0x400 ss:$0x1], $0xffff;
	[tilespmem:s20+$0x20] =	vst v3  }
0x35: {  	v3 =	vld [tilespmem:s19+$0xFFFFFFE0];
	[tilespmem:s20+$0x30] =	vst v4  }
0x36: {  	v4 =	vld [tilespmem:s19+$0xFFFFFFF0];
	[tilespmem:s20+$0xFFFFFBF0] =	vst v7  }
0x37: {  	v7 =	vld [tilespmem:s19+$0x0];
	[tilespmem:s20+$0x40] =	vst v1  }
0x38: {  	v1 =	vld [tilespmem:s19+$0x10];
	[tilespmem:s20+$0x50] =	vst v2;
	s20 =	sadd.s32 $0x800, s20  }
0x39: {  	s18 =	sadd.s32 $0x800, s18;
	v2 =	vld [tilespmem:s19+$0x20];
	[tilespmem:s20+$0x60] =	vst v6  }
0x3a: {  	v9 =	vld [tilespmem:s19+$0x30];
	[tilespmem:s18+$0x0] =	vst v5  }
0x3b: {  	[tilespmem:s20+$0xFFFFFC00] =	vst v8;
	v6 =	vld [tilespmem:s19+$0x3D0]  }
0x3c: {  	[tilespmem:s20+$0xFFFFFC10] =	vst v3;
	v5 =	vld [tilespmem:s19+$0x3E0]  }
.Ltmp3:
0x3d: {  	[tilespmem:s20+$0xFFFFFC20] =	vst v4;
	v3 =	vld [tilespmem:s19+$0x3F0];
	(pc) =	sbr.rel @p2 .LBB1_4-.Ltmp3, $4  }
0x3e: {  	[tilespmem:s20+$0xFFFFFC30] =	vst v7;
	v4 =	vld [tilespmem:s19+$0x400]  }
0x3f: {  	[tilespmem:s20+$0xFFFFFC40] =	vst v1;
	v1 =	vld [tilespmem:s19+$0x410]  }
0x40: {  	[tilespmem:s20+$0xFFFFFC50] =	vst v2;
	v2 =	vld [tilespmem:s19+$0x420]  }
0x41: {  	s21 =	sadd.s32 $0x80, s21;
	s23 =	sand.u32 $0x300, s22;
	v7 =	vld [tilespmem:s19+$0xFFFFFFC0];
	[tilespmem:s20+$0xFFFFFC60] =	vst v9;
	s19 =	sadd.s32 $0x80, s19  }
0x42: {  	[tilespmem:s20+$0x0] =	vst v6  }
0x43: {  	[tilespmem:s20+$0x10] =	vst v5  }
0x44: {  	v49 =	vld [tilespmem:s19+$0x430];
	[tilespmem:s20+$0x20] =	vst v3  }
0x45: {  	v50 =	vld [tilespmem:s19+$0xFFFFFFD0];
	[tilespmem:s20+$0x30] =	vst v4  }
0x46: {  	v51 =	vld [tilespmem:s19+$0xFFFFFFE0];
	[tilespmem:s20+$0x40] =	vst v1  }
0x47: {  	v52 =	vld [tilespmem:s19+$0xFFFFFFF0];
	[tilespmem:s20+$0x50] =	vst v2  }
0x48: {  	s31 =	sadd.s32 $0x800, s20;
	v53 =	vld [tilespmem:s19+$0x0];
	[tilespmem:s20+$0xFFFFFBF0] =	vst v7  }
0x49: {  	v54 =	vld [tilespmem:s19+$0x10];
	[tilespmem:s31+$0x60] =	vst v49  }
0x4a: {  	v55 =	vld [tilespmem:s19+$0x20];
	[tilespmem:s31+$0xFFFFFC00] =	vst v50  }
0x4b: {  	v56 =	vld [tilespmem:s19+$0x30];
	[tilespmem:s31+$0xFFFFFC10] =	vst v51  }
0x4c: {  	v57 =	vld [tilespmem:s19+$0x3D0];
	[tilespmem:s31+$0xFFFFFC20] =	vst v52  }
0x4d: {  	v58 =	vld [tilespmem:s19+$0x3E0];
	[tilespmem:s31+$0xFFFFFC30] =	vst v53  }
0x4e: {  	v59 =	vld [tilespmem:s19+$0x3F0];
	[tilespmem:s31+$0xFFFFFC40] =	vst v54  }
0x4f: {  	v60 =	vld [tilespmem:s19+$0x400];
	[tilespmem:s31+$0xFFFFFC50] =	vst v55  }
0x50: {  	v61 =	vld [tilespmem:s19+$0xFFFFFFC0];
	[tilespmem:s31+$0xFFFFFC60] =	vst v56  }
0x51: {  	s21 =	sand.u32 $0x80, s22;
	s30 =	sadd.s32 s23, s13;
	v62 =	vld [tilespmem:s19+$0x410];
	[tilespmem:s31+$0x0] =	vst v57  }
0x52: {  	v63 =	vld [tilespmem:s19+$0x420];
	s17 =	sadd.s32 $0x1, s17;
	s21 =	sadd.s32 s21, s30;
	[tilespmem:s31+$0x10] =	vst v58  }
0x53: {  	p2 =	sne.s32 s17, $0x8;
	v0 =	vld.idx.msk [tilespmem:v0+s21+$0x400 ss:$0x1], $0xffff;
	[tilespmem:s31+$0x20] =	vst v59  }
.Ltmp4:
0x54: {  	[tilespmem:s31+$0x30] =	vst v60;
	(pc) =	sbr.rel @p2 .LBB1_3-.Ltmp4, $4  }
0x55: {  	[tilespmem:s31+$0xFFFFFBF0] =	vst v61  }
0x56: {  	[tilespmem:s31+$0x40] =	vst v62  }
0x57: {  	s18 =	sadd.s32 $0x800, s18;
	s10 =	sadd.s32 $0x800, s10;
	[tilespmem:s31+$0x50] =	vst v63  }
0x58: {  	s16 =	sadd.s32 $0x80, s16;
	p1 =	por !p1, !p1;
	s12 =	sadd.s32 $0x80, s12;
	[tilespmem:s18+$0x0] =	vst v0  }
.Ltmp5:
0x59: {  	(pc) =	sbr.rel .LBB1_7-.Ltmp5, $4  }
0x5a: {  	_ = 	snop  }
0x5b: {  	s9 =	sshll.u32 s9, $0xB  }
0x5c: {  	s9 =	sadd.s32 s2, s9  }
0x5d: {  	[hbm4b:s9+s6] =	stream.linear.scatter [tilespmem:s11], [sflag:$0x2], $0x4000, $0x38;
	[tilespmem:$0x10000] =	vst v63  }
.LBB1_8:
0x5e: {  	_ =	sfence.sel $0x180000  }
0x5f: {  	s2 =	simm.s32 $0x1;
	[bflag:$0x0] =	sbarrier.arrive $0xFFFF  }
0x60: {  	s31 =	simm.s32 $0x2;
	[sflag:s2] =	ssyncpa.u1 $0x1  }
0x61: {  	[sflag:s31] =	ssyncpa.u1 $0x1  }
0x62: {  	p0 =	sne.s32 s1, $0x0;
	_ =	strace $0x9000004A  }
0x63: {  	s0 =	sadd.s32 @!p0 $0x100000, s0;
	[bflag:$0x2] =	sbarrier.arrive $0xFFFF  }
0x64: {  	[sflag:s0] =	ssyncadd.tile.s32 @!p0 $0x1;
	_ =	shalt  }
.Lfunc_end1:
_tile_overlayer_lowered:
.L_overlay_start_2:
0x65: {  	(tag) =	ssettag $0x2  }
0x66: {  	s0 =	rddreg [dreg:$0x0];
	s2 =	stileid.u32  }
0x67: {  	s1 =	rddreg [dreg:$0x1];
	p0 =	sne.s32 s2, $0x0  }
0x68: {  	s3 =	rddreg [dreg:$0x2];
	[bflag:$0x3] =	sbarrier.arrive $0xFFFF;
	s2 =	simm.s32 @!p0 $0x1C01  }
0x69: {  	[timem:s3], [sflag:s2] =	dma.local @!p0 [hbm:s0], s1  }
0x6a: {  	s0 =	simm.s32 @!p0 $0x1  }
0x6b: {  	_ =	swait.ge @!p0 [sflag:s0], s1  }
0x6c: {  	s1 =	ssub.s32 @!p0 $0x0, s1;
	[sflag:s0] =	ssyncset.done @!p0 $0x0  }
0x6d: {  	[sflag:s0] =	ssyncadd.s32 @!p0 s1  }
0x6e: {  	[bflag:$0x3] =	sbarrier.arrive $0xFFFF  }
0x6f: {  	_ =	shalt  }

</sc_bundles>
